<compile_context>
chip_gen: v7x
topology: tpu7x:2x2x1
jax: 0.10.2.dev20260603
libtpu: 0.0.44.dev20260713+nightly
codegen_flags: <defaults>
</compile_context>

<pallas_src>
import functools

import jax
import jax.numpy as jnp
from jax import lax
from jax.experimental import pallas as pl
from jax.experimental.pallas import tpu as pltpu
from jax.experimental.pallas import tpu_sc as plsc

NC, NS = 2, 16
NW = NC * NS
G = 128
EMB = 32
FD = 32
OUT_W = EMB + FD
PAD_W = 128


def _sc_gather(table_pad, z3, BN):
    rows_per_w = BN // NW
    chunks = rows_per_w // G
    quads = chunks // 4

    mesh = plsc.VectorSubcoreMesh(core_axis_name="c", subcore_axis_name="s")

    @functools.partial(
        pl.kernel,
        out_type=jax.ShapeDtypeStruct((BN, OUT_W), jnp.float32),
        mesh=mesh,
        scratch_types=[
            pltpu.VMEM((rows_per_w // G, G), jnp.int32),
            pltpu.VMEM((G, PAD_W), jnp.float32),
            pltpu.VMEM((G, PAD_W), jnp.float32),
            pltpu.VMEM((G, PAD_W), jnp.float32),
            pltpu.VMEM((G, PAD_W), jnp.float32),
            pltpu.VMEM_SHARED((NS, 2, G + 8, OUT_W), jnp.float32),
            pltpu.SemaphoreType.DMA,
            pltpu.SemaphoreType.DMA,
            pltpu.SemaphoreType.DMA,
            pltpu.SemaphoreType.DMA,
            pltpu.SemaphoreType.DMA,
            pltpu.SemaphoreType.DMA,
        ],
    )
    def sc_kernel(table_hbm, z_hbm, out_hbm, idx_v,
                  gA, gB, gC, gD, sbuf, sA, sB, sC, sD, w0, w1):
        wid = lax.axis_index("c") * NS + lax.axis_index("s")
        sid = lax.axis_index("s")
        pltpu.sync_copy(z_hbm.at[wid], idx_v)
        row0 = wid * rows_per_w

        def go(c, buf, sem):
            pltpu.async_copy(table_hbm.at[idx_v.at[c]], buf, sem)

        def gwait(c, buf, sem):
            pltpu.make_async_copy(table_hbm.at[idx_v.at[c]], buf, sem).wait()

        def merge(buf, r):
            pltpu.sync_copy(
                buf.at[pl.ds(0, G), pl.ds(0, EMB)],
                sbuf.at[sid, r, pl.ds(8, G), pl.ds(0, EMB)],
            )

        def wstart(r, c, sem):
            pltpu.async_copy(
                sbuf.at[sid, r, pl.ds(8, G), :],
                out_hbm.at[pl.ds(row0 + c * G, G)],
                sem,
            )

        def wwait(r, c, sem):
            pltpu.make_async_copy(
                sbuf.at[sid, r, pl.ds(8, G), :],
                out_hbm.at[pl.ds(row0 + c * G, G)],
                sem,
            ).wait()

        go(0, gA, sA)
        go(1, gB, sB)
        go(2, gC, sC)
        go(3, gD, sD)

        @pl.loop(0, quads)
        def _(t):
            c = 4 * t

            @pl.when(t > 0)
            def _():
                wwait(0, c - 2, w0)
            gwait(c, gA, sA)
            merge(gA, 0)

            @pl.when(t < quads - 1)
            def _():
                go(c + 4, gA, sA)
            wstart(0, c, w0)

            @pl.when(t > 0)
            def _():
                wwait(1, c - 1, w1)
            gwait(c + 1, gB, sB)
            merge(gB, 1)

            @pl.when(t < quads - 1)
            def _():
                go(c + 5, gB, sB)
            wstart(1, c + 1, w1)

            wwait(0, c, w0)
            gwait(c + 2, gC, sC)
            merge(gC, 0)

            @pl.when(t < quads - 1)
            def _():
                go(c + 6, gC, sC)
            wstart(0, c + 2, w0)

            wwait(1, c + 1, w1)
            gwait(c + 3, gD, sD)
            merge(gD, 1)

            @pl.when(t < quads - 1)
            def _():
                go(c + 7, gD, sD)
            wstart(1, c + 3, w1)

        wwait(0, chunks - 2, w0)
        wwait(1, chunks - 1, w1)

    return sc_kernel(table_pad, z3)


def _tc_fill_dense(out1, dense2, BN):
    ROWS = 4096
    grid = (BN // ROWS,)

    def tc_kernel(dense_ref, out1_ref, out_ref):
        out_ref[:, 0:EMB] = out1_ref[:, 0:EMB]
        out_ref[:, EMB:OUT_W] = dense_ref[...]

    return pl.pallas_call(
        tc_kernel,
        grid=grid,
        in_specs=[
            pl.BlockSpec((ROWS, FD), lambda i: (i, 0)),
            pl.BlockSpec((ROWS, OUT_W), lambda i: (i, 0)),
        ],
        out_specs=pl.BlockSpec((ROWS, OUT_W), lambda i: (i, 0)),
        out_shape=jax.ShapeDtypeStruct((BN, OUT_W), jnp.float32),
        input_output_aliases={1: 0},
    )(dense2, out1)


def kernel(z, x_dense, table):
    B, N = z.shape
    BN = B * N
    rows_per_w = BN // NW

    z3 = z.reshape(NW, rows_per_w // G, G)
    dense2 = x_dense.reshape(BN, FD)
    table_pad = jnp.pad(table, ((0, 0), (0, PAD_W - EMB)))

    out1 = _sc_gather(table_pad, z3, BN)
    out = _tc_fill_dense(out1, dense2, BN)
    return out.reshape(B, N, OUT_W)

# --- scband reference (transcript-rebuilt; emitter-appended) ---
"""Pipeline reference for scband-feature-prep-44186623542146 (READ-ONLY COPY).

The authoritative reference and input builder live on the scoring server;
editing this copy changes nothing except your own understanding.
"""

import jax, jax.numpy as jnp
import numpy as np

NUM_CATEGORIES = 100000
EMB_DIM = 32
F_DENSE = 32
B = 4096
N = 200

def setup_inputs(seed: int = 0) -> dict:
    key = jax.random.key(seed)
    k1, k2, k3 = jax.random.split(key, 3)
    z = jax.random.randint(k1, (B, N), 0, NUM_CATEGORIES, dtype=jnp.int32)
    x_dense = jax.random.normal(k2, (B, N, F_DENSE), dtype=jnp.float32)
    # Embedding table: (num_categories + 1, emb_dim), padding_idx=0 row zeroed
    table = jax.random.normal(k3, (NUM_CATEGORIES + 1, EMB_DIM), dtype=jnp.float32)
    table = table.at[0].set(0.0)
    return {"z": z, "x_dense": x_dense, "table": table}

def reference(z, x_dense, table) -> jnp.ndarray:
    # nn.Embedding with padding_idx=0: row 0 is zero
    emb_table = table.at[0].set(0.0)
    z_emb = jnp.take(emb_table, z, axis=0)  # [B, N, EMB_DIM]
    out = jnp.concatenate([z_emb, x_dense], axis=-1)  # [B, N, EMB_DIM + F_DENSE]
    return out

if __name__ == "__main__":
    import jax
    _d = setup_inputs()
    print(jax.jit(kernel)(*tuple(_d.values())))

</pallas_src>

<mosaic_0001>
#map = affine_map<(d0, d1) -> (0, 0)>
#map1 = affine_map<(d0, d1) -> (0, 0, 0)>
module attributes {stable_mosaic.version = 14 : i64} {
  func.func @sc_kernel(%arg0: i32, %arg1: i32, %arg2: memref<100001x128xf32, #tpu.memory_space<hbm>>, %arg3: memref<32x200x128xi32, #tpu.memory_space<hbm>>, %arg4: memref<819200x64xf32, #tpu.memory_space<hbm>>, %arg5: memref<200x128xi32, #tpu.memory_space<vmem>>, %arg6: memref<128x128xf32, #tpu.memory_space<vmem>>, %arg7: memref<128x128xf32, #tpu.memory_space<vmem>>, %arg8: memref<128x128xf32, #tpu.memory_space<vmem>>, %arg9: memref<128x128xf32, #tpu.memory_space<vmem>>, %arg10: memref<16x2x136x64xf32, #tpu.memory_space<vmem_shared>>, %arg11: memref<!tpu.dma_semaphore, #tpu.memory_space<semaphore_mem>>, %arg12: memref<!tpu.dma_semaphore, #tpu.memory_space<semaphore_mem>>, %arg13: memref<!tpu.dma_semaphore, #tpu.memory_space<semaphore_mem>>, %arg14: memref<!tpu.dma_semaphore, #tpu.memory_space<semaphore_mem>>, %arg15: memref<!tpu.dma_semaphore, #tpu.memory_space<semaphore_mem>>, %arg16: memref<!tpu.dma_semaphore, #tpu.memory_space<semaphore_mem>>) attributes {dimension_semantics = [#tpu.dimension_semantics<core_parallel>, #tpu.dimension_semantics<subcore_parallel>], iteration_bounds = array<i64: 2, 16>, scalar_prefetch = 0 : i64, scratch_operands = 12 : i64, tpu.core_type = #tpu.core_type<sc_vector_subcore>, window_params = [{transform_indices = #map}, {transform_indices = #map1}, {transform_indices = #map}]} {
    %mul3A = arith.constant 16 : i32
    %mul3A_0 = arith.muli %arg0, %mul3A : i32
    %add3A = arith.addi %mul3A_0, %arg1 : i32
    "tpu.region"() ({
      %run_scoped3A = tpu.sem_alloc : memref<!tpu.dma_semaphore, #tpu.memory_space<semaphore_mem>>
      %dma_start3A_51 = arith.constant 0 : i32
      %dma_start3A_52 = arith.constant 0 : i32
      %dma_start3A_53 = tpu.memref_slice %arg3[%add3A, %dma_start3A_51, %dma_start3A_52] : memref<32x200x128xi32, #tpu.memory_space<hbm>> -> memref<1x200x128xi32, #tpu.memory_space<hbm>>
      %dma_start3A_54 = tpu.memref_squeeze %dma_start3A_53 : memref<1x200x128xi32, #tpu.memory_space<hbm>> -> memref<200x128xi32, #tpu.memory_space<hbm>>
      %dma_start3A_55 = arith.constant 0 : i32
      %dma_start3A_56 = arith.constant 0 : i32
      %dma_start3A_57 = tpu.memref_slice %arg3[%add3A, %dma_start3A_55, %dma_start3A_56] : memref<32x200x128xi32, #tpu.memory_space<hbm>> -> memref<1x200x128xi32, #tpu.memory_space<hbm>>
      %dma_start3A_58 = tpu.memref_squeeze %dma_start3A_57 : memref<1x200x128xi32, #tpu.memory_space<hbm>> -> memref<200x128xi32, #tpu.memory_space<hbm>>
      tpu.enqueue_dma source(%dma_start3A_58 : memref<200x128xi32, #tpu.memory_space<hbm>>) target(%arg5 : memref<200x128xi32, #tpu.memory_space<vmem>>) target_semaphore(%run_scoped3A : memref<!tpu.dma_semaphore, #tpu.memory_space<semaphore_mem>>)
      %dma_wait3A_59 = arith.constant 0 : i32
      %dma_wait3A_60 = arith.constant 0 : i32
      %dma_wait3A_61 = tpu.memref_slice %arg3[%add3A, %dma_wait3A_59, %dma_wait3A_60] : memref<32x200x128xi32, #tpu.memory_space<hbm>> -> memref<1x200x128xi32, #tpu.memory_space<hbm>>
      %dma_wait3A_62 = tpu.memref_squeeze %dma_wait3A_61 : memref<1x200x128xi32, #tpu.memory_space<hbm>> -> memref<200x128xi32, #tpu.memory_space<hbm>>
      %dma_wait3A_63 = arith.constant 0 : i32
      %dma_wait3A_64 = arith.constant 0 : i32
      %dma_wait3A_65 = tpu.memref_slice %arg3[%add3A, %dma_wait3A_63, %dma_wait3A_64] : memref<32x200x128xi32, #tpu.memory_space<hbm>> -> memref<1x200x128xi32, #tpu.memory_space<hbm>>
      %dma_wait3A_66 = tpu.memref_squeeze %dma_wait3A_65 : memref<1x200x128xi32, #tpu.memory_space<hbm>> -> memref<200x128xi32, #tpu.memory_space<hbm>>
      tpu.wait_dma2 semaphore(%run_scoped3A : memref<!tpu.dma_semaphore, #tpu.memory_space<semaphore_mem>>) src(%dma_wait3A_66 : memref<200x128xi32, #tpu.memory_space<hbm>>) dst(%arg5 : memref<200x128xi32, #tpu.memory_space<vmem>>)
      tpu.yield
    }) : () -> ()
    %mul3A_1 = arith.constant 25600 : i32
    %mul3A_2 = arith.muli %add3A, %mul3A_1 : i32
    %dma_start3A = arith.constant 0 : i32
    %dma_start3A_3 = arith.constant 0 : i32
    %dma_start3A_4 = tpu.memref_slice %arg5[%dma_start3A, %dma_start3A_3] : memref<200x128xi32, #tpu.memory_space<vmem>> -> memref<1x128xi32, #tpu.memory_space<vmem>>
    %dma_start3A_5 = tpu.memref_squeeze %dma_start3A_4 : memref<1x128xi32, #tpu.memory_space<vmem>> -> memref<128xi32, #tpu.memory_space<vmem>>
    %dma_start3A_6 = arith.constant 0 : i32
    %dma_start3A_7 = arith.constant 0 : i32
    %dma_start3A_8 = tpu.memref_slice %arg2[%dma_start3A_6, %dma_start3A_7] : memref<100001x128xf32, #tpu.memory_space<hbm>> -> memref<100001x128xf32, #tpu.memory_space<hbm>>
    tpu.enqueue_indirect_dma source(%dma_start3A_8 : memref<100001x128xf32, #tpu.memory_space<hbm>>) target(%arg6 : memref<128x128xf32, #tpu.memory_space<vmem>>) offsets(%dma_start3A_5 : memref<128xi32, #tpu.memory_space<vmem>>) semaphore(%arg11 : memref<!tpu.dma_semaphore, #tpu.memory_space<semaphore_mem>>)
    %dma_start3A_9 = arith.constant 1 : i32
    %dma_start3A_10 = arith.constant 0 : i32
    %dma_start3A_11 = tpu.memref_slice %arg5[%dma_start3A_9, %dma_start3A_10] : memref<200x128xi32, #tpu.memory_space<vmem>> -> memref<1x128xi32, #tpu.memory_space<vmem>>
    %dma_start3A_12 = tpu.memref_squeeze %dma_start3A_11 : memref<1x128xi32, #tpu.memory_space<vmem>> -> memref<128xi32, #tpu.memory_space<vmem>>
    %dma_start3A_13 = arith.constant 0 : i32
    %dma_start3A_14 = arith.constant 0 : i32
    %dma_start3A_15 = tpu.memref_slice %arg2[%dma_start3A_13, %dma_start3A_14] : memref<100001x128xf32, #tpu.memory_space<hbm>> -> memref<100001x128xf32, #tpu.memory_space<hbm>>
    tpu.enqueue_indirect_dma source(%dma_start3A_15 : memref<100001x128xf32, #tpu.memory_space<hbm>>) target(%arg7 : memref<128x128xf32, #tpu.memory_space<vmem>>) offsets(%dma_start3A_12 : memref<128xi32, #tpu.memory_space<vmem>>) semaphore(%arg12 : memref<!tpu.dma_semaphore, #tpu.memory_space<semaphore_mem>>)
    %dma_start3A_16 = arith.constant 2 : i32
    %dma_start3A_17 = arith.constant 0 : i32
    %dma_start3A_18 = tpu.memref_slice %arg5[%dma_start3A_16, %dma_start3A_17] : memref<200x128xi32, #tpu.memory_space<vmem>> -> memref<1x128xi32, #tpu.memory_space<vmem>>
    %dma_start3A_19 = tpu.memref_squeeze %dma_start3A_18 : memref<1x128xi32, #tpu.memory_space<vmem>> -> memref<128xi32, #tpu.memory_space<vmem>>
    %dma_start3A_20 = arith.constant 0 : i32
    %dma_start3A_21 = arith.constant 0 : i32
    %dma_start3A_22 = tpu.memref_slice %arg2[%dma_start3A_20, %dma_start3A_21] : memref<100001x128xf32, #tpu.memory_space<hbm>> -> memref<100001x128xf32, #tpu.memory_space<hbm>>
    tpu.enqueue_indirect_dma source(%dma_start3A_22 : memref<100001x128xf32, #tpu.memory_space<hbm>>) target(%arg8 : memref<128x128xf32, #tpu.memory_space<vmem>>) offsets(%dma_start3A_19 : memref<128xi32, #tpu.memory_space<vmem>>) semaphore(%arg13 : memref<!tpu.dma_semaphore, #tpu.memory_space<semaphore_mem>>)
    %dma_start3A_23 = arith.constant 3 : i32
    %dma_start3A_24 = arith.constant 0 : i32
    %dma_start3A_25 = tpu.memref_slice %arg5[%dma_start3A_23, %dma_start3A_24] : memref<200x128xi32, #tpu.memory_space<vmem>> -> memref<1x128xi32, #tpu.memory_space<vmem>>
    %dma_start3A_26 = tpu.memref_squeeze %dma_start3A_25 : memref<1x128xi32, #tpu.memory_space<vmem>> -> memref<128xi32, #tpu.memory_space<vmem>>
    %dma_start3A_27 = arith.constant 0 : i32
    %dma_start3A_28 = arith.constant 0 : i32
    %dma_start3A_29 = tpu.memref_slice %arg2[%dma_start3A_27, %dma_start3A_28] : memref<100001x128xf32, #tpu.memory_space<hbm>> -> memref<100001x128xf32, #tpu.memory_space<hbm>>
    tpu.enqueue_indirect_dma source(%dma_start3A_29 : memref<100001x128xf32, #tpu.memory_space<hbm>>) target(%arg9 : memref<128x128xf32, #tpu.memory_space<vmem>>) offsets(%dma_start3A_26 : memref<128xi32, #tpu.memory_space<vmem>>) semaphore(%arg14 : memref<!tpu.dma_semaphore, #tpu.memory_space<semaphore_mem>>)
    %scan3A = arith.constant 0 : i32
    %scan3A_30 = arith.constant 50 : i32
    %scan3A_31 = arith.addi %scan3A, %scan3A_30 : i32
    %scan3A_32 = arith.constant 1 : i32
    scf.for %scan3A_51 = %scan3A to %scan3A_31 step %scan3A_32  : i32 {
      %mul3A_52 = arith.constant 1 : i32
      %mul3A_53 = arith.muli %scan3A_51, %mul3A_52 : i32
      %add3A_54 = arith.constant 0 : i32
      %add3A_55 = arith.addi %add3A_54, %mul3A_53 : i32
      %mul3A_56 = arith.constant 4 : i32
      %mul3A_57 = arith.muli %mul3A_56, %add3A_55 : i32
      %gt3A = arith.constant 0 : i32
      %gt3A_58 = arith.cmpi sgt, %add3A_55, %gt3A : i32
      %convert_element_type3A = arith.extui %gt3A_58 : i1 to i32
      %cond3A = arith.constant 0 : i32
      %cond3A_59 = arith.cmpi ne, %convert_element_type3A, %cond3A : i32
      scf.if %cond3A_59 {
        %sub3A = arith.constant 2 : i32
        %sub3A_185 = arith.subi %mul3A_57, %sub3A : i32
        %mul3A_186 = arith.constant 128 : i32
        %mul3A_187 = arith.muli %sub3A_185, %mul3A_186 : i32
        %add3A_188 = arith.addi %mul3A_2, %mul3A_187 : i32
        %dma_wait3A_189 = arith.constant 0 : i32
        %dma_wait3A_190 = arith.constant 0 : i32
        %dma_wait3A_191 = tpu.memref_slice %arg4[%add3A_188, %dma_wait3A_190] : memref<819200x64xf32, #tpu.memory_space<hbm>> -> memref<128x64xf32, #tpu.memory_space<hbm>>
        %dma_wait3A_192 = arith.constant 8 : i32
        %dma_wait3A_193 = arith.constant 0 : i32
        %dma_wait3A_194 = tpu.memref_slice %arg10[%arg1, %dma_wait3A_189, %dma_wait3A_192, %dma_wait3A_193] : memref<16x2x136x64xf32, #tpu.memory_space<vmem_shared>> -> memref<1x1x128x64xf32, #tpu.memory_space<vmem_shared>>
        %dma_wait3A_195 = tpu.memref_squeeze %dma_wait3A_194 : memref<1x1x128x64xf32, #tpu.memory_space<vmem_shared>> -> memref<128x64xf32, #tpu.memory_space<vmem_shared>>
        tpu.wait_dma2 semaphore(%arg15 : memref<!tpu.dma_semaphore, #tpu.memory_space<semaphore_mem>>) src(%dma_wait3A_195 : memref<128x64xf32, #tpu.memory_space<vmem_shared>>) dst(%dma_wait3A_191 : memref<128x64xf32, #tpu.memory_space<hbm>>)
      } else {
      }
      %dma_wait3A_60 = arith.constant 0 : i32
      %dma_wait3A_61 = tpu.memref_slice %arg5[%mul3A_57, %dma_wait3A_60] : memref<200x128xi32, #tpu.memory_space<vmem>> -> memref<1x128xi32, #tpu.memory_space<vmem>>
      %dma_wait3A_62 = tpu.memref_squeeze %dma_wait3A_61 : memref<1x128xi32, #tpu.memory_space<vmem>> -> memref<128xi32, #tpu.memory_space<vmem>>
      %dma_wait3A_63 = arith.constant 0 : i32
      %dma_wait3A_64 = arith.constant 0 : i32
      %dma_wait3A_65 = tpu.memref_slice %arg2[%dma_wait3A_63, %dma_wait3A_64] : memref<100001x128xf32, #tpu.memory_space<hbm>> -> memref<100001x128xf32, #tpu.memory_space<hbm>>
      tpu.wait_indirect_dma semaphore(%arg11 : memref<!tpu.dma_semaphore, #tpu.memory_space<semaphore_mem>>) src(%dma_wait3A_65 : memref<100001x128xf32, #tpu.memory_space<hbm>>) dst(%arg6 : memref<128x128xf32, #tpu.memory_space<vmem>>)
      %run_scoped3A = arith.constant 0 : i32
      "tpu.region"() ({
        %run_scoped3A_185 = tpu.sem_alloc : memref<!tpu.dma_semaphore, #tpu.memory_space<semaphore_mem>>
        %dma_start3A_186 = arith.constant 0 : i32
        %dma_start3A_187 = arith.constant 0 : i32
        %dma_start3A_188 = tpu.memref_slice %arg6[%dma_start3A_186, %dma_start3A_187] : memref<128x128xf32, #tpu.memory_space<vmem>> -> memref<128x32xf32, #tpu.memory_space<vmem>>
        %dma_start3A_189 = arith.constant 8 : i32
        %dma_start3A_190 = arith.constant 0 : i32
        %dma_start3A_191 = tpu.memref_slice %arg10[%arg1, %run_scoped3A, %dma_start3A_189, %dma_start3A_190] : memref<16x2x136x64xf32, #tpu.memory_space<vmem_shared>> -> memref<1x1x128x32xf32, #tpu.memory_space<vmem_shared>>
        %dma_start3A_192 = tpu.memref_squeeze %dma_start3A_191 : memref<1x1x128x32xf32, #tpu.memory_space<vmem_shared>> -> memref<128x32xf32, #tpu.memory_space<vmem_shared>>
        %dma_start3A_193 = arith.constant 8 : i32
        %dma_start3A_194 = arith.constant 0 : i32
        %dma_start3A_195 = tpu.memref_slice %arg10[%arg1, %run_scoped3A, %dma_start3A_193, %dma_start3A_194] : memref<16x2x136x64xf32, #tpu.memory_space<vmem_shared>> -> memref<1x1x128x32xf32, #tpu.memory_space<vmem_shared>>
        %dma_start3A_196 = tpu.memref_squeeze %dma_start3A_195 : memref<1x1x128x32xf32, #tpu.memory_space<vmem_shared>> -> memref<128x32xf32, #tpu.memory_space<vmem_shared>>
        %dma_start3A_197 = arith.constant 0 : i32
        %dma_start3A_198 = arith.constant 0 : i32
        %dma_start3A_199 = tpu.memref_slice %arg6[%dma_start3A_197, %dma_start3A_198] : memref<128x128xf32, #tpu.memory_space<vmem>> -> memref<128x32xf32, #tpu.memory_space<vmem>>
        tpu.enqueue_dma source(%dma_start3A_199 : memref<128x32xf32, #tpu.memory_space<vmem>>) target(%dma_start3A_196 : memref<128x32xf32, #tpu.memory_space<vmem_shared>>) target_semaphore(%run_scoped3A_185 : memref<!tpu.dma_semaphore, #tpu.memory_space<semaphore_mem>>)
        %dma_wait3A_200 = arith.constant 0 : i32
        %dma_wait3A_201 = arith.constant 0 : i32
        %dma_wait3A_202 = tpu.memref_slice %arg6[%dma_wait3A_200, %dma_wait3A_201] : memref<128x128xf32, #tpu.memory_space<vmem>> -> memref<128x32xf32, #tpu.memory_space<vmem>>
        %dma_wait3A_203 = arith.constant 8 : i32
        %dma_wait3A_204 = arith.constant 0 : i32
        %dma_wait3A_205 = tpu.memref_slice %arg10[%arg1, %run_scoped3A, %dma_wait3A_203, %dma_wait3A_204] : memref<16x2x136x64xf32, #tpu.memory_space<vmem_shared>> -> memref<1x1x128x32xf32, #tpu.memory_space<vmem_shared>>
        %dma_wait3A_206 = tpu.memref_squeeze %dma_wait3A_205 : memref<1x1x128x32xf32, #tpu.memory_space<vmem_shared>> -> memref<128x32xf32, #tpu.memory_space<vmem_shared>>
        %dma_wait3A_207 = arith.constant 8 : i32
        %dma_wait3A_208 = arith.constant 0 : i32
        %dma_wait3A_209 = tpu.memref_slice %arg10[%arg1, %run_scoped3A, %dma_wait3A_207, %dma_wait3A_208] : memref<16x2x136x64xf32, #tpu.memory_space<vmem_shared>> -> memref<1x1x128x32xf32, #tpu.memory_space<vmem_shared>>
        %dma_wait3A_210 = tpu.memref_squeeze %dma_wait3A_209 : memref<1x1x128x32xf32, #tpu.memory_space<vmem_shared>> -> memref<128x32xf32, #tpu.memory_space<vmem_shared>>
        %dma_wait3A_211 = arith.constant 0 : i32
        %dma_wait3A_212 = arith.constant 0 : i32
        %dma_wait3A_213 = tpu.memref_slice %arg6[%dma_wait3A_211, %dma_wait3A_212] : memref<128x128xf32, #tpu.memory_space<vmem>> -> memref<128x32xf32, #tpu.memory_space<vmem>>
        tpu.wait_dma2 semaphore(%run_scoped3A_185 : memref<!tpu.dma_semaphore, #tpu.memory_space<semaphore_mem>>) src(%dma_wait3A_213 : memref<128x32xf32, #tpu.memory_space<vmem>>) dst(%dma_wait3A_210 : memref<128x32xf32, #tpu.memory_space<vmem_shared>>)
        tpu.yield
      }) : () -> ()
      %lt3A = arith.constant 49 : i32
      %lt3A_66 = arith.cmpi slt, %add3A_55, %lt3A : i32
      %convert_element_type3A_67 = arith.extui %lt3A_66 : i1 to i32
      %cond3A_68 = arith.constant 0 : i32
      %cond3A_69 = arith.cmpi ne, %convert_element_type3A_67, %cond3A_68 : i32
      scf.if %cond3A_69 {
        %add3A_185 = arith.constant 4 : i32
        %add3A_186 = arith.addi %mul3A_57, %add3A_185 : i32
        %dma_start3A_187 = arith.constant 0 : i32
        %dma_start3A_188 = tpu.memref_slice %arg5[%add3A_186, %dma_start3A_187] : memref<200x128xi32, #tpu.memory_space<vmem>> -> memref<1x128xi32, #tpu.memory_space<vmem>>
        %dma_start3A_189 = tpu.memref_squeeze %dma_start3A_188 : memref<1x128xi32, #tpu.memory_space<vmem>> -> memref<128xi32, #tpu.memory_space<vmem>>
        %dma_start3A_190 = arith.constant 0 : i32
        %dma_start3A_191 = arith.constant 0 : i32
        %dma_start3A_192 = tpu.memref_slice %arg2[%dma_start3A_190, %dma_start3A_191] : memref<100001x128xf32, #tpu.memory_space<hbm>> -> memref<100001x128xf32, #tpu.memory_space<hbm>>
        tpu.enqueue_indirect_dma source(%dma_start3A_192 : memref<100001x128xf32, #tpu.memory_space<hbm>>) target(%arg6 : memref<128x128xf32, #tpu.memory_space<vmem>>) offsets(%dma_start3A_189 : memref<128xi32, #tpu.memory_space<vmem>>) semaphore(%arg11 : memref<!tpu.dma_semaphore, #tpu.memory_space<semaphore_mem>>)
      } else {
      }
      %mul3A_70 = arith.constant 128 : i32
      %mul3A_71 = arith.muli %mul3A_57, %mul3A_70 : i32
      %add3A_72 = arith.addi %mul3A_2, %mul3A_71 : i32
      %dma_start3A_73 = arith.constant 0 : i32
      %dma_start3A_74 = arith.constant 0 : i32
      %dma_start3A_75 = tpu.memref_slice %arg4[%add3A_72, %dma_start3A_74] : memref<819200x64xf32, #tpu.memory_space<hbm>> -> memref<128x64xf32, #tpu.memory_space<hbm>>
      %dma_start3A_76 = arith.constant 8 : i32
      %dma_start3A_77 = arith.constant 0 : i32
      %dma_start3A_78 = tpu.memref_slice %arg10[%arg1, %dma_start3A_73, %dma_start3A_76, %dma_start3A_77] : memref<16x2x136x64xf32, #tpu.memory_space<vmem_shared>> -> memref<1x1x128x64xf32, #tpu.memory_space<vmem_shared>>
      %dma_start3A_79 = tpu.memref_squeeze %dma_start3A_78 : memref<1x1x128x64xf32, #tpu.memory_space<vmem_shared>> -> memref<128x64xf32, #tpu.memory_space<vmem_shared>>
      tpu.enqueue_dma source(%dma_start3A_79 : memref<128x64xf32, #tpu.memory_space<vmem_shared>>) target(%dma_start3A_75 : memref<128x64xf32, #tpu.memory_space<hbm>>) target_semaphore(%arg15 : memref<!tpu.dma_semaphore, #tpu.memory_space<semaphore_mem>>)
      %gt3A_80 = arith.constant 0 : i32
      %gt3A_81 = arith.cmpi sgt, %add3A_55, %gt3A_80 : i32
      %convert_element_type3A_82 = arith.extui %gt3A_81 : i1 to i32
      %cond3A_83 = arith.constant 0 : i32
      %cond3A_84 = arith.cmpi ne, %convert_element_type3A_82, %cond3A_83 : i32
      scf.if %cond3A_84 {
        %sub3A = arith.constant 1 : i32
        %sub3A_185 = arith.subi %mul3A_57, %sub3A : i32
        %mul3A_186 = arith.constant 128 : i32
        %mul3A_187 = arith.muli %sub3A_185, %mul3A_186 : i32
        %add3A_188 = arith.addi %mul3A_2, %mul3A_187 : i32
        %dma_wait3A_189 = arith.constant 1 : i32
        %dma_wait3A_190 = arith.constant 0 : i32
        %dma_wait3A_191 = tpu.memref_slice %arg4[%add3A_188, %dma_wait3A_190] : memref<819200x64xf32, #tpu.memory_space<hbm>> -> memref<128x64xf32, #tpu.memory_space<hbm>>
        %dma_wait3A_192 = arith.constant 8 : i32
        %dma_wait3A_193 = arith.constant 0 : i32
        %dma_wait3A_194 = tpu.memref_slice %arg10[%arg1, %dma_wait3A_189, %dma_wait3A_192, %dma_wait3A_193] : memref<16x2x136x64xf32, #tpu.memory_space<vmem_shared>> -> memref<1x1x128x64xf32, #tpu.memory_space<vmem_shared>>
        %dma_wait3A_195 = tpu.memref_squeeze %dma_wait3A_194 : memref<1x1x128x64xf32, #tpu.memory_space<vmem_shared>> -> memref<128x64xf32, #tpu.memory_space<vmem_shared>>
        tpu.wait_dma2 semaphore(%arg16 : memref<!tpu.dma_semaphore, #tpu.memory_space<semaphore_mem>>) src(%dma_wait3A_195 : memref<128x64xf32, #tpu.memory_space<vmem_shared>>) dst(%dma_wait3A_191 : memref<128x64xf32, #tpu.memory_space<hbm>>)
      } else {
      }
      %add3A_85 = arith.constant 1 : i32
      %add3A_86 = arith.addi %mul3A_57, %add3A_85 : i32
      %dma_wait3A_87 = arith.constant 0 : i32
      %dma_wait3A_88 = tpu.memref_slice %arg5[%add3A_86, %dma_wait3A_87] : memref<200x128xi32, #tpu.memory_space<vmem>> -> memref<1x128xi32, #tpu.memory_space<vmem>>
      %dma_wait3A_89 = tpu.memref_squeeze %dma_wait3A_88 : memref<1x128xi32, #tpu.memory_space<vmem>> -> memref<128xi32, #tpu.memory_space<vmem>>
      %dma_wait3A_90 = arith.constant 0 : i32
      %dma_wait3A_91 = arith.constant 0 : i32
      %dma_wait3A_92 = tpu.memref_slice %arg2[%dma_wait3A_90, %dma_wait3A_91] : memref<100001x128xf32, #tpu.memory_space<hbm>> -> memref<100001x128xf32, #tpu.memory_space<hbm>>
      tpu.wait_indirect_dma semaphore(%arg12 : memref<!tpu.dma_semaphore, #tpu.memory_space<semaphore_mem>>) src(%dma_wait3A_92 : memref<100001x128xf32, #tpu.memory_space<hbm>>) dst(%arg7 : memref<128x128xf32, #tpu.memory_space<vmem>>)
      %run_scoped3A_93 = arith.constant 1 : i32
      "tpu.region"() ({
        %run_scoped3A_185 = tpu.sem_alloc : memref<!tpu.dma_semaphore, #tpu.memory_space<semaphore_mem>>
        %dma_start3A_186 = arith.constant 0 : i32
        %dma_start3A_187 = arith.constant 0 : i32
        %dma_start3A_188 = tpu.memref_slice %arg7[%dma_start3A_186, %dma_start3A_187] : memref<128x128xf32, #tpu.memory_space<vmem>> -> memref<128x32xf32, #tpu.memory_space<vmem>>
        %dma_start3A_189 = arith.constant 8 : i32
        %dma_start3A_190 = arith.constant 0 : i32
        %dma_start3A_191 = tpu.memref_slice %arg10[%arg1, %run_scoped3A_93, %dma_start3A_189, %dma_start3A_190] : memref<16x2x136x64xf32, #tpu.memory_space<vmem_shared>> -> memref<1x1x128x32xf32, #tpu.memory_space<vmem_shared>>
        %dma_start3A_192 = tpu.memref_squeeze %dma_start3A_191 : memref<1x1x128x32xf32, #tpu.memory_space<vmem_shared>> -> memref<128x32xf32, #tpu.memory_space<vmem_shared>>
        %dma_start3A_193 = arith.constant 8 : i32
        %dma_start3A_194 = arith.constant 0 : i32
        %dma_start3A_195 = tpu.memref_slice %arg10[%arg1, %run_scoped3A_93, %dma_start3A_193, %dma_start3A_194] : memref<16x2x136x64xf32, #tpu.memory_space<vmem_shared>> -> memref<1x1x128x32xf32, #tpu.memory_space<vmem_shared>>
        %dma_start3A_196 = tpu.memref_squeeze %dma_start3A_195 : memref<1x1x128x32xf32, #tpu.memory_space<vmem_shared>> -> memref<128x32xf32, #tpu.memory_space<vmem_shared>>
        %dma_start3A_197 = arith.constant 0 : i32
        %dma_start3A_198 = arith.constant 0 : i32
        %dma_start3A_199 = tpu.memref_slice %arg7[%dma_start3A_197, %dma_start3A_198] : memref<128x128xf32, #tpu.memory_space<vmem>> -> memref<128x32xf32, #tpu.memory_space<vmem>>
        tpu.enqueue_dma source(%dma_start3A_199 : memref<128x32xf32, #tpu.memory_space<vmem>>) target(%dma_start3A_196 : memref<128x32xf32, #tpu.memory_space<vmem_shared>>) target_semaphore(%run_scoped3A_185 : memref<!tpu.dma_semaphore, #tpu.memory_space<semaphore_mem>>)
        %dma_wait3A_200 = arith.constant 0 : i32
        %dma_wait3A_201 = arith.constant 0 : i32
        %dma_wait3A_202 = tpu.memref_slice %arg7[%dma_wait3A_200, %dma_wait3A_201] : memref<128x128xf32, #tpu.memory_space<vmem>> -> memref<128x32xf32, #tpu.memory_space<vmem>>
        %dma_wait3A_203 = arith.constant 8 : i32
        %dma_wait3A_204 = arith.constant 0 : i32
        %dma_wait3A_205 = tpu.memref_slice %arg10[%arg1, %run_scoped3A_93, %dma_wait3A_203, %dma_wait3A_204] : memref<16x2x136x64xf32, #tpu.memory_space<vmem_shared>> -> memref<1x1x128x32xf32, #tpu.memory_space<vmem_shared>>
        %dma_wait3A_206 = tpu.memref_squeeze %dma_wait3A_205 : memref<1x1x128x32xf32, #tpu.memory_space<vmem_shared>> -> memref<128x32xf32, #tpu.memory_space<vmem_shared>>
        %dma_wait3A_207 = arith.constant 8 : i32
        %dma_wait3A_208 = arith.constant 0 : i32
        %dma_wait3A_209 = tpu.memref_slice %arg10[%arg1, %run_scoped3A_93, %dma_wait3A_207, %dma_wait3A_208] : memref<16x2x136x64xf32, #tpu.memory_space<vmem_shared>> -> memref<1x1x128x32xf32, #tpu.memory_space<vmem_shared>>
        %dma_wait3A_210 = tpu.memref_squeeze %dma_wait3A_209 : memref<1x1x128x32xf32, #tpu.memory_space<vmem_shared>> -> memref<128x32xf32, #tpu.memory_space<vmem_shared>>
        %dma_wait3A_211 = arith.constant 0 : i32
        %dma_wait3A_212 = arith.constant 0 : i32
        %dma_wait3A_213 = tpu.memref_slice %arg7[%dma_wait3A_211, %dma_wait3A_212] : memref<128x128xf32, #tpu.memory_space<vmem>> -> memref<128x32xf32, #tpu.memory_space<vmem>>
        tpu.wait_dma2 semaphore(%run_scoped3A_185 : memref<!tpu.dma_semaphore, #tpu.memory_space<semaphore_mem>>) src(%dma_wait3A_213 : memref<128x32xf32, #tpu.memory_space<vmem>>) dst(%dma_wait3A_210 : memref<128x32xf32, #tpu.memory_space<vmem_shared>>)
        tpu.yield
      }) : () -> ()
      %lt3A_94 = arith.constant 49 : i32
      %lt3A_95 = arith.cmpi slt, %add3A_55, %lt3A_94 : i32
      %convert_element_type3A_96 = arith.extui %lt3A_95 : i1 to i32
      %cond3A_97 = arith.constant 0 : i32
      %cond3A_98 = arith.cmpi ne, %convert_element_type3A_96, %cond3A_97 : i32
      scf.if %cond3A_98 {
        %add3A_185 = arith.constant 5 : i32
        %add3A_186 = arith.addi %mul3A_57, %add3A_185 : i32
        %dma_start3A_187 = arith.constant 0 : i32
        %dma_start3A_188 = tpu.memref_slice %arg5[%add3A_186, %dma_start3A_187] : memref<200x128xi32, #tpu.memory_space<vmem>> -> memref<1x128xi32, #tpu.memory_space<vmem>>
        %dma_start3A_189 = tpu.memref_squeeze %dma_start3A_188 : memref<1x128xi32, #tpu.memory_space<vmem>> -> memref<128xi32, #tpu.memory_space<vmem>>
        %dma_start3A_190 = arith.constant 0 : i32
        %dma_start3A_191 = arith.constant 0 : i32
        %dma_start3A_192 = tpu.memref_slice %arg2[%dma_start3A_190, %dma_start3A_191] : memref<100001x128xf32, #tpu.memory_space<hbm>> -> memref<100001x128xf32, #tpu.memory_space<hbm>>
        tpu.enqueue_indirect_dma source(%dma_start3A_192 : memref<100001x128xf32, #tpu.memory_space<hbm>>) target(%arg7 : memref<128x128xf32, #tpu.memory_space<vmem>>) offsets(%dma_start3A_189 : memref<128xi32, #tpu.memory_space<vmem>>) semaphore(%arg12 : memref<!tpu.dma_semaphore, #tpu.memory_space<semaphore_mem>>)
      } else {
      }
      %add3A_99 = arith.constant 1 : i32
      %add3A_100 = arith.addi %mul3A_57, %add3A_99 : i32
      %mul3A_101 = arith.constant 128 : i32
      %mul3A_102 = arith.muli %add3A_100, %mul3A_101 : i32
      %add3A_103 = arith.addi %mul3A_2, %mul3A_102 : i32
      %dma_start3A_104 = arith.constant 1 : i32
      %dma_start3A_105 = arith.constant 0 : i32
      %dma_start3A_106 = tpu.memref_slice %arg4[%add3A_103, %dma_start3A_105] : memref<819200x64xf32, #tpu.memory_space<hbm>> -> memref<128x64xf32, #tpu.memory_space<hbm>>
      %dma_start3A_107 = arith.constant 8 : i32
      %dma_start3A_108 = arith.constant 0 : i32
      %dma_start3A_109 = tpu.memref_slice %arg10[%arg1, %dma_start3A_104, %dma_start3A_107, %dma_start3A_108] : memref<16x2x136x64xf32, #tpu.memory_space<vmem_shared>> -> memref<1x1x128x64xf32, #tpu.memory_space<vmem_shared>>
      %dma_start3A_110 = tpu.memref_squeeze %dma_start3A_109 : memref<1x1x128x64xf32, #tpu.memory_space<vmem_shared>> -> memref<128x64xf32, #tpu.memory_space<vmem_shared>>
      tpu.enqueue_dma source(%dma_start3A_110 : memref<128x64xf32, #tpu.memory_space<vmem_shared>>) target(%dma_start3A_106 : memref<128x64xf32, #tpu.memory_space<hbm>>) target_semaphore(%arg16 : memref<!tpu.dma_semaphore, #tpu.memory_space<semaphore_mem>>)
      %mul3A_111 = arith.constant 128 : i32
      %mul3A_112 = arith.muli %mul3A_57, %mul3A_111 : i32
      %add3A_113 = arith.addi %mul3A_2, %mul3A_112 : i32
      %dma_wait3A_114 = arith.constant 0 : i32
      %dma_wait3A_115 = arith.constant 0 : i32
      %dma_wait3A_116 = tpu.memref_slice %arg4[%add3A_113, %dma_wait3A_115] : memref<819200x64xf32, #tpu.memory_space<hbm>> -> memref<128x64xf32, #tpu.memory_space<hbm>>
      %dma_wait3A_117 = arith.constant 8 : i32
      %dma_wait3A_118 = arith.constant 0 : i32
      %dma_wait3A_119 = tpu.memref_slice %arg10[%arg1, %dma_wait3A_114, %dma_wait3A_117, %dma_wait3A_118] : memref<16x2x136x64xf32, #tpu.memory_space<vmem_shared>> -> memref<1x1x128x64xf32, #tpu.memory_space<vmem_shared>>
      %dma_wait3A_120 = tpu.memref_squeeze %dma_wait3A_119 : memref<1x1x128x64xf32, #tpu.memory_space<vmem_shared>> -> memref<128x64xf32, #tpu.memory_space<vmem_shared>>
      tpu.wait_dma2 semaphore(%arg15 : memref<!tpu.dma_semaphore, #tpu.memory_space<semaphore_mem>>) src(%dma_wait3A_120 : memref<128x64xf32, #tpu.memory_space<vmem_shared>>) dst(%dma_wait3A_116 : memref<128x64xf32, #tpu.memory_space<hbm>>)
      %add3A_121 = arith.constant 2 : i32
      %add3A_122 = arith.addi %mul3A_57, %add3A_121 : i32
      %dma_wait3A_123 = arith.constant 0 : i32
      %dma_wait3A_124 = tpu.memref_slice %arg5[%add3A_122, %dma_wait3A_123] : memref<200x128xi32, #tpu.memory_space<vmem>> -> memref<1x128xi32, #tpu.memory_space<vmem>>
      %dma_wait3A_125 = tpu.memref_squeeze %dma_wait3A_124 : memref<1x128xi32, #tpu.memory_space<vmem>> -> memref<128xi32, #tpu.memory_space<vmem>>
      %dma_wait3A_126 = arith.constant 0 : i32
      %dma_wait3A_127 = arith.constant 0 : i32
      %dma_wait3A_128 = tpu.memref_slice %arg2[%dma_wait3A_126, %dma_wait3A_127] : memref<100001x128xf32, #tpu.memory_space<hbm>> -> memref<100001x128xf32, #tpu.memory_space<hbm>>
      tpu.wait_indirect_dma semaphore(%arg13 : memref<!tpu.dma_semaphore, #tpu.memory_space<semaphore_mem>>) src(%dma_wait3A_128 : memref<100001x128xf32, #tpu.memory_space<hbm>>) dst(%arg8 : memref<128x128xf32, #tpu.memory_space<vmem>>)
      %run_scoped3A_129 = arith.constant 0 : i32
      "tpu.region"() ({
        %run_scoped3A_185 = tpu.sem_alloc : memref<!tpu.dma_semaphore, #tpu.memory_space<semaphore_mem>>
        %dma_start3A_186 = arith.constant 0 : i32
        %dma_start3A_187 = arith.constant 0 : i32
        %dma_start3A_188 = tpu.memref_slice %arg8[%dma_start3A_186, %dma_start3A_187] : memref<128x128xf32, #tpu.memory_space<vmem>> -> memref<128x32xf32, #tpu.memory_space<vmem>>
        %dma_start3A_189 = arith.constant 8 : i32
        %dma_start3A_190 = arith.constant 0 : i32
        %dma_start3A_191 = tpu.memref_slice %arg10[%arg1, %run_scoped3A_129, %dma_start3A_189, %dma_start3A_190] : memref<16x2x136x64xf32, #tpu.memory_space<vmem_shared>> -> memref<1x1x128x32xf32, #tpu.memory_space<vmem_shared>>
        %dma_start3A_192 = tpu.memref_squeeze %dma_start3A_191 : memref<1x1x128x32xf32, #tpu.memory_space<vmem_shared>> -> memref<128x32xf32, #tpu.memory_space<vmem_shared>>
        %dma_start3A_193 = arith.constant 8 : i32
        %dma_start3A_194 = arith.constant 0 : i32
        %dma_start3A_195 = tpu.memref_slice %arg10[%arg1, %run_scoped3A_129, %dma_start3A_193, %dma_start3A_194] : memref<16x2x136x64xf32, #tpu.memory_space<vmem_shared>> -> memref<1x1x128x32xf32, #tpu.memory_space<vmem_shared>>
        %dma_start3A_196 = tpu.memref_squeeze %dma_start3A_195 : memref<1x1x128x32xf32, #tpu.memory_space<vmem_shared>> -> memref<128x32xf32, #tpu.memory_space<vmem_shared>>
        %dma_start3A_197 = arith.constant 0 : i32
        %dma_start3A_198 = arith.constant 0 : i32
        %dma_start3A_199 = tpu.memref_slice %arg8[%dma_start3A_197, %dma_start3A_198] : memref<128x128xf32, #tpu.memory_space<vmem>> -> memref<128x32xf32, #tpu.memory_space<vmem>>
        tpu.enqueue_dma source(%dma_start3A_199 : memref<128x32xf32, #tpu.memory_space<vmem>>) target(%dma_start3A_196 : memref<128x32xf32, #tpu.memory_space<vmem_shared>>) target_semaphore(%run_scoped3A_185 : memref<!tpu.dma_semaphore, #tpu.memory_space<semaphore_mem>>)
        %dma_wait3A_200 = arith.constant 0 : i32
        %dma_wait3A_201 = arith.constant 0 : i32
        %dma_wait3A_202 = tpu.memref_slice %arg8[%dma_wait3A_200, %dma_wait3A_201] : memref<128x128xf32, #tpu.memory_space<vmem>> -> memref<128x32xf32, #tpu.memory_space<vmem>>
        %dma_wait3A_203 = arith.constant 8 : i32
        %dma_wait3A_204 = arith.constant 0 : i32
        %dma_wait3A_205 = tpu.memref_slice %arg10[%arg1, %run_scoped3A_129, %dma_wait3A_203, %dma_wait3A_204] : memref<16x2x136x64xf32, #tpu.memory_space<vmem_shared>> -> memref<1x1x128x32xf32, #tpu.memory_space<vmem_shared>>
        %dma_wait3A_206 = tpu.memref_squeeze %dma_wait3A_205 : memref<1x1x128x32xf32, #tpu.memory_space<vmem_shared>> -> memref<128x32xf32, #tpu.memory_space<vmem_shared>>
        %dma_wait3A_207 = arith.constant 8 : i32
        %dma_wait3A_208 = arith.constant 0 : i32
        %dma_wait3A_209 = tpu.memref_slice %arg10[%arg1, %run_scoped3A_129, %dma_wait3A_207, %dma_wait3A_208] : memref<16x2x136x64xf32, #tpu.memory_space<vmem_shared>> -> memref<1x1x128x32xf32, #tpu.memory_space<vmem_shared>>
        %dma_wait3A_210 = tpu.memref_squeeze %dma_wait3A_209 : memref<1x1x128x32xf32, #tpu.memory_space<vmem_shared>> -> memref<128x32xf32, #tpu.memory_space<vmem_shared>>
        %dma_wait3A_211 = arith.constant 0 : i32
        %dma_wait3A_212 = arith.constant 0 : i32
        %dma_wait3A_213 = tpu.memref_slice %arg8[%dma_wait3A_211, %dma_wait3A_212] : memref<128x128xf32, #tpu.memory_space<vmem>> -> memref<128x32xf32, #tpu.memory_space<vmem>>
        tpu.wait_dma2 semaphore(%run_scoped3A_185 : memref<!tpu.dma_semaphore, #tpu.memory_space<semaphore_mem>>) src(%dma_wait3A_213 : memref<128x32xf32, #tpu.memory_space<vmem>>) dst(%dma_wait3A_210 : memref<128x32xf32, #tpu.memory_space<vmem_shared>>)
        tpu.yield
      }) : () -> ()
      %lt3A_130 = arith.constant 49 : i32
      %lt3A_131 = arith.cmpi slt, %add3A_55, %lt3A_130 : i32
      %convert_element_type3A_132 = arith.extui %lt3A_131 : i1 to i32
      %cond3A_133 = arith.constant 0 : i32
      %cond3A_134 = arith.cmpi ne, %convert_element_type3A_132, %cond3A_133 : i32
      scf.if %cond3A_134 {
        %add3A_185 = arith.constant 6 : i32
        %add3A_186 = arith.addi %mul3A_57, %add3A_185 : i32
        %dma_start3A_187 = arith.constant 0 : i32
        %dma_start3A_188 = tpu.memref_slice %arg5[%add3A_186, %dma_start3A_187] : memref<200x128xi32, #tpu.memory_space<vmem>> -> memref<1x128xi32, #tpu.memory_space<vmem>>
        %dma_start3A_189 = tpu.memref_squeeze %dma_start3A_188 : memref<1x128xi32, #tpu.memory_space<vmem>> -> memref<128xi32, #tpu.memory_space<vmem>>
        %dma_start3A_190 = arith.constant 0 : i32
        %dma_start3A_191 = arith.constant 0 : i32
        %dma_start3A_192 = tpu.memref_slice %arg2[%dma_start3A_190, %dma_start3A_191] : memref<100001x128xf32, #tpu.memory_space<hbm>> -> memref<100001x128xf32, #tpu.memory_space<hbm>>
        tpu.enqueue_indirect_dma source(%dma_start3A_192 : memref<100001x128xf32, #tpu.memory_space<hbm>>) target(%arg8 : memref<128x128xf32, #tpu.memory_space<vmem>>) offsets(%dma_start3A_189 : memref<128xi32, #tpu.memory_space<vmem>>) semaphore(%arg13 : memref<!tpu.dma_semaphore, #tpu.memory_space<semaphore_mem>>)
      } else {
      }
      %add3A_135 = arith.constant 2 : i32
      %add3A_136 = arith.addi %mul3A_57, %add3A_135 : i32
      %mul3A_137 = arith.constant 128 : i32
      %mul3A_138 = arith.muli %add3A_136, %mul3A_137 : i32
      %add3A_139 = arith.addi %mul3A_2, %mul3A_138 : i32
      %dma_start3A_140 = arith.constant 0 : i32
      %dma_start3A_141 = arith.constant 0 : i32
      %dma_start3A_142 = tpu.memref_slice %arg4[%add3A_139, %dma_start3A_141] : memref<819200x64xf32, #tpu.memory_space<hbm>> -> memref<128x64xf32, #tpu.memory_space<hbm>>
      %dma_start3A_143 = arith.constant 8 : i32
      %dma_start3A_144 = arith.constant 0 : i32
      %dma_start3A_145 = tpu.memref_slice %arg10[%arg1, %dma_start3A_140, %dma_start3A_143, %dma_start3A_144] : memref<16x2x136x64xf32, #tpu.memory_space<vmem_shared>> -> memref<1x1x128x64xf32, #tpu.memory_space<vmem_shared>>
      %dma_start3A_146 = tpu.memref_squeeze %dma_start3A_145 : memref<1x1x128x64xf32, #tpu.memory_space<vmem_shared>> -> memref<128x64xf32, #tpu.memory_space<vmem_shared>>
      tpu.enqueue_dma source(%dma_start3A_146 : memref<128x64xf32, #tpu.memory_space<vmem_shared>>) target(%dma_start3A_142 : memref<128x64xf32, #tpu.memory_space<hbm>>) target_semaphore(%arg15 : memref<!tpu.dma_semaphore, #tpu.memory_space<semaphore_mem>>)
      %add3A_147 = arith.constant 1 : i32
      %add3A_148 = arith.addi %mul3A_57, %add3A_147 : i32
      %mul3A_149 = arith.constant 128 : i32
      %mul3A_150 = arith.muli %add3A_148, %mul3A_149 : i32
      %add3A_151 = arith.addi %mul3A_2, %mul3A_150 : i32
      %dma_wait3A_152 = arith.constant 1 : i32
      %dma_wait3A_153 = arith.constant 0 : i32
      %dma_wait3A_154 = tpu.memref_slice %arg4[%add3A_151, %dma_wait3A_153] : memref<819200x64xf32, #tpu.memory_space<hbm>> -> memref<128x64xf32, #tpu.memory_space<hbm>>
      %dma_wait3A_155 = arith.constant 8 : i32
      %dma_wait3A_156 = arith.constant 0 : i32
      %dma_wait3A_157 = tpu.memref_slice %arg10[%arg1, %dma_wait3A_152, %dma_wait3A_155, %dma_wait3A_156] : memref<16x2x136x64xf32, #tpu.memory_space<vmem_shared>> -> memref<1x1x128x64xf32, #tpu.memory_space<vmem_shared>>
      %dma_wait3A_158 = tpu.memref_squeeze %dma_wait3A_157 : memref<1x1x128x64xf32, #tpu.memory_space<vmem_shared>> -> memref<128x64xf32, #tpu.memory_space<vmem_shared>>
      tpu.wait_dma2 semaphore(%arg16 : memref<!tpu.dma_semaphore, #tpu.memory_space<semaphore_mem>>) src(%dma_wait3A_158 : memref<128x64xf32, #tpu.memory_space<vmem_shared>>) dst(%dma_wait3A_154 : memref<128x64xf32, #tpu.memory_space<hbm>>)
      %add3A_159 = arith.constant 3 : i32
      %add3A_160 = arith.addi %mul3A_57, %add3A_159 : i32
      %dma_wait3A_161 = arith.constant 0 : i32
      %dma_wait3A_162 = tpu.memref_slice %arg5[%add3A_160, %dma_wait3A_161] : memref<200x128xi32, #tpu.memory_space<vmem>> -> memref<1x128xi32, #tpu.memory_space<vmem>>
      %dma_wait3A_163 = tpu.memref_squeeze %dma_wait3A_162 : memref<1x128xi32, #tpu.memory_space<vmem>> -> memref<128xi32, #tpu.memory_space<vmem>>
      %dma_wait3A_164 = arith.constant 0 : i32
      %dma_wait3A_165 = arith.constant 0 : i32
      %dma_wait3A_166 = tpu.memref_slice %arg2[%dma_wait3A_164, %dma_wait3A_165] : memref<100001x128xf32, #tpu.memory_space<hbm>> -> memref<100001x128xf32, #tpu.memory_space<hbm>>
      tpu.wait_indirect_dma semaphore(%arg14 : memref<!tpu.dma_semaphore, #tpu.memory_space<semaphore_mem>>) src(%dma_wait3A_166 : memref<100001x128xf32, #tpu.memory_space<hbm>>) dst(%arg9 : memref<128x128xf32, #tpu.memory_space<vmem>>)
      %run_scoped3A_167 = arith.constant 1 : i32
      "tpu.region"() ({
        %run_scoped3A_185 = tpu.sem_alloc : memref<!tpu.dma_semaphore, #tpu.memory_space<semaphore_mem>>
        %dma_start3A_186 = arith.constant 0 : i32
        %dma_start3A_187 = arith.constant 0 : i32
        %dma_start3A_188 = tpu.memref_slice %arg9[%dma_start3A_186, %dma_start3A_187] : memref<128x128xf32, #tpu.memory_space<vmem>> -> memref<128x32xf32, #tpu.memory_space<vmem>>
        %dma_start3A_189 = arith.constant 8 : i32
        %dma_start3A_190 = arith.constant 0 : i32
        %dma_start3A_191 = tpu.memref_slice %arg10[%arg1, %run_scoped3A_167, %dma_start3A_189, %dma_start3A_190] : memref<16x2x136x64xf32, #tpu.memory_space<vmem_shared>> -> memref<1x1x128x32xf32, #tpu.memory_space<vmem_shared>>
        %dma_start3A_192 = tpu.memref_squeeze %dma_start3A_191 : memref<1x1x128x32xf32, #tpu.memory_space<vmem_shared>> -> memref<128x32xf32, #tpu.memory_space<vmem_shared>>
        %dma_start3A_193 = arith.constant 8 : i32
        %dma_start3A_194 = arith.constant 0 : i32
        %dma_start3A_195 = tpu.memref_slice %arg10[%arg1, %run_scoped3A_167, %dma_start3A_193, %dma_start3A_194] : memref<16x2x136x64xf32, #tpu.memory_space<vmem_shared>> -> memref<1x1x128x32xf32, #tpu.memory_space<vmem_shared>>
        %dma_start3A_196 = tpu.memref_squeeze %dma_start3A_195 : memref<1x1x128x32xf32, #tpu.memory_space<vmem_shared>> -> memref<128x32xf32, #tpu.memory_space<vmem_shared>>
        %dma_start3A_197 = arith.constant 0 : i32
        %dma_start3A_198 = arith.constant 0 : i32
        %dma_start3A_199 = tpu.memref_slice %arg9[%dma_start3A_197, %dma_start3A_198] : memref<128x128xf32, #tpu.memory_space<vmem>> -> memref<128x32xf32, #tpu.memory_space<vmem>>
        tpu.enqueue_dma source(%dma_start3A_199 : memref<128x32xf32, #tpu.memory_space<vmem>>) target(%dma_start3A_196 : memref<128x32xf32, #tpu.memory_space<vmem_shared>>) target_semaphore(%run_scoped3A_185 : memref<!tpu.dma_semaphore, #tpu.memory_space<semaphore_mem>>)
        %dma_wait3A_200 = arith.constant 0 : i32
        %dma_wait3A_201 = arith.constant 0 : i32
        %dma_wait3A_202 = tpu.memref_slice %arg9[%dma_wait3A_200, %dma_wait3A_201] : memref<128x128xf32, #tpu.memory_space<vmem>> -> memref<128x32xf32, #tpu.memory_space<vmem>>
        %dma_wait3A_203 = arith.constant 8 : i32
        %dma_wait3A_204 = arith.constant 0 : i32
        %dma_wait3A_205 = tpu.memref_slice %arg10[%arg1, %run_scoped3A_167, %dma_wait3A_203, %dma_wait3A_204] : memref<16x2x136x64xf32, #tpu.memory_space<vmem_shared>> -> memref<1x1x128x32xf32, #tpu.memory_space<vmem_shared>>
        %dma_wait3A_206 = tpu.memref_squeeze %dma_wait3A_205 : memref<1x1x128x32xf32, #tpu.memory_space<vmem_shared>> -> memref<128x32xf32, #tpu.memory_space<vmem_shared>>
        %dma_wait3A_207 = arith.constant 8 : i32
        %dma_wait3A_208 = arith.constant 0 : i32
        %dma_wait3A_209 = tpu.memref_slice %arg10[%arg1, %run_scoped3A_167, %dma_wait3A_207, %dma_wait3A_208] : memref<16x2x136x64xf32, #tpu.memory_space<vmem_shared>> -> memref<1x1x128x32xf32, #tpu.memory_space<vmem_shared>>
        %dma_wait3A_210 = tpu.memref_squeeze %dma_wait3A_209 : memref<1x1x128x32xf32, #tpu.memory_space<vmem_shared>> -> memref<128x32xf32, #tpu.memory_space<vmem_shared>>
        %dma_wait3A_211 = arith.constant 0 : i32
        %dma_wait3A_212 = arith.constant 0 : i32
        %dma_wait3A_213 = tpu.memref_slice %arg9[%dma_wait3A_211, %dma_wait3A_212] : memref<128x128xf32, #tpu.memory_space<vmem>> -> memref<128x32xf32, #tpu.memory_space<vmem>>
        tpu.wait_dma2 semaphore(%run_scoped3A_185 : memref<!tpu.dma_semaphore, #tpu.memory_space<semaphore_mem>>) src(%dma_wait3A_213 : memref<128x32xf32, #tpu.memory_space<vmem>>) dst(%dma_wait3A_210 : memref<128x32xf32, #tpu.memory_space<vmem_shared>>)
        tpu.yield
      }) : () -> ()
      %lt3A_168 = arith.constant 49 : i32
      %lt3A_169 = arith.cmpi slt, %add3A_55, %lt3A_168 : i32
      %convert_element_type3A_170 = arith.extui %lt3A_169 : i1 to i32
      %cond3A_171 = arith.constant 0 : i32
      %cond3A_172 = arith.cmpi ne, %convert_element_type3A_170, %cond3A_171 : i32
      scf.if %cond3A_172 {
        %add3A_185 = arith.constant 7 : i32
        %add3A_186 = arith.addi %mul3A_57, %add3A_185 : i32
        %dma_start3A_187 = arith.constant 0 : i32
        %dma_start3A_188 = tpu.memref_slice %arg5[%add3A_186, %dma_start3A_187] : memref<200x128xi32, #tpu.memory_space<vmem>> -> memref<1x128xi32, #tpu.memory_space<vmem>>
        %dma_start3A_189 = tpu.memref_squeeze %dma_start3A_188 : memref<1x128xi32, #tpu.memory_space<vmem>> -> memref<128xi32, #tpu.memory_space<vmem>>
        %dma_start3A_190 = arith.constant 0 : i32
        %dma_start3A_191 = arith.constant 0 : i32
        %dma_start3A_192 = tpu.memref_slice %arg2[%dma_start3A_190, %dma_start3A_191] : memref<100001x128xf32, #tpu.memory_space<hbm>> -> memref<100001x128xf32, #tpu.memory_space<hbm>>
        tpu.enqueue_indirect_dma source(%dma_start3A_192 : memref<100001x128xf32, #tpu.memory_space<hbm>>) target(%arg9 : memref<128x128xf32, #tpu.memory_space<vmem>>) offsets(%dma_start3A_189 : memref<128xi32, #tpu.memory_space<vmem>>) semaphore(%arg14 : memref<!tpu.dma_semaphore, #tpu.memory_space<semaphore_mem>>)
      } else {
      }
      %add3A_173 = arith.constant 3 : i32
      %add3A_174 = arith.addi %mul3A_57, %add3A_173 : i32
      %mul3A_175 = arith.constant 128 : i32
      %mul3A_176 = arith.muli %add3A_174, %mul3A_175 : i32
      %add3A_177 = arith.addi %mul3A_2, %mul3A_176 : i32
      %dma_start3A_178 = arith.constant 1 : i32
      %dma_start3A_179 = arith.constant 0 : i32
      %dma_start3A_180 = tpu.memref_slice %arg4[%add3A_177, %dma_start3A_179] : memref<819200x64xf32, #tpu.memory_space<hbm>> -> memref<128x64xf32, #tpu.memory_space<hbm>>
      %dma_start3A_181 = arith.constant 8 : i32
      %dma_start3A_182 = arith.constant 0 : i32
      %dma_start3A_183 = tpu.memref_slice %arg10[%arg1, %dma_start3A_178, %dma_start3A_181, %dma_start3A_182] : memref<16x2x136x64xf32, #tpu.memory_space<vmem_shared>> -> memref<1x1x128x64xf32, #tpu.memory_space<vmem_shared>>
      %dma_start3A_184 = tpu.memref_squeeze %dma_start3A_183 : memref<1x1x128x64xf32, #tpu.memory_space<vmem_shared>> -> memref<128x64xf32, #tpu.memory_space<vmem_shared>>
      tpu.enqueue_dma source(%dma_start3A_184 : memref<128x64xf32, #tpu.memory_space<vmem_shared>>) target(%dma_start3A_180 : memref<128x64xf32, #tpu.memory_space<hbm>>) target_semaphore(%arg16 : memref<!tpu.dma_semaphore, #tpu.memory_space<semaphore_mem>>)
    }
    %scan3A_33 = arith.constant 50 : i32
    %add3A_34 = arith.constant 25344 : i32
    %add3A_35 = arith.addi %mul3A_2, %add3A_34 : i32
    %dma_wait3A = arith.constant 0 : i32
    %dma_wait3A_36 = arith.constant 0 : i32
    %dma_wait3A_37 = tpu.memref_slice %arg4[%add3A_35, %dma_wait3A_36] : memref<819200x64xf32, #tpu.memory_space<hbm>> -> memref<128x64xf32, #tpu.memory_space<hbm>>
    %dma_wait3A_38 = arith.constant 8 : i32
    %dma_wait3A_39 = arith.constant 0 : i32
    %dma_wait3A_40 = tpu.memref_slice %arg10[%arg1, %dma_wait3A, %dma_wait3A_38, %dma_wait3A_39] : memref<16x2x136x64xf32, #tpu.memory_space<vmem_shared>> -> memref<1x1x128x64xf32, #tpu.memory_space<vmem_shared>>
    %dma_wait3A_41 = tpu.memref_squeeze %dma_wait3A_40 : memref<1x1x128x64xf32, #tpu.memory_space<vmem_shared>> -> memref<128x64xf32, #tpu.memory_space<vmem_shared>>
    tpu.wait_dma2 semaphore(%arg15 : memref<!tpu.dma_semaphore, #tpu.memory_space<semaphore_mem>>) src(%dma_wait3A_41 : memref<128x64xf32, #tpu.memory_space<vmem_shared>>) dst(%dma_wait3A_37 : memref<128x64xf32, #tpu.memory_space<hbm>>)
    %add3A_42 = arith.constant 25472 : i32
    %add3A_43 = arith.addi %mul3A_2, %add3A_42 : i32
    %dma_wait3A_44 = arith.constant 1 : i32
    %dma_wait3A_45 = arith.constant 0 : i32
    %dma_wait3A_46 = tpu.memref_slice %arg4[%add3A_43, %dma_wait3A_45] : memref<819200x64xf32, #tpu.memory_space<hbm>> -> memref<128x64xf32, #tpu.memory_space<hbm>>
    %dma_wait3A_47 = arith.constant 8 : i32
    %dma_wait3A_48 = arith.constant 0 : i32
    %dma_wait3A_49 = tpu.memref_slice %arg10[%arg1, %dma_wait3A_44, %dma_wait3A_47, %dma_wait3A_48] : memref<16x2x136x64xf32, #tpu.memory_space<vmem_shared>> -> memref<1x1x128x64xf32, #tpu.memory_space<vmem_shared>>
    %dma_wait3A_50 = tpu.memref_squeeze %dma_wait3A_49 : memref<1x1x128x64xf32, #tpu.memory_space<vmem_shared>> -> memref<128x64xf32, #tpu.memory_space<vmem_shared>>
    tpu.wait_dma2 semaphore(%arg16 : memref<!tpu.dma_semaphore, #tpu.memory_space<semaphore_mem>>) src(%dma_wait3A_50 : memref<128x64xf32, #tpu.memory_space<vmem_shared>>) dst(%dma_wait3A_46 : memref<128x64xf32, #tpu.memory_space<hbm>>)
    return
  }
}

module attributes {stable_mosaic.version = 14 : i64} {
  func.func @tc_kernel(%arg0: i32, %arg1: memref<4096x32xf32, #tpu.memory_space<vmem>>, %arg2: memref<4096x64xf32, #tpu.memory_space<vmem>>, %arg3: memref<4096x64xf32, #tpu.memory_space<vmem>>) attributes {dimension_semantics = [#tpu.dimension_semantics<arbitrary>], iteration_bounds = array<i64: 200>, scalar_prefetch = 0 : i64, scratch_operands = 0 : i64, tpu.core_type = #tpu.core_type<tc>, window_params = [{transform_indices = @transform_0, window_bounds = array<i64: 4096, 32>}, {transform_indices = @transform_1, window_bounds = array<i64: 4096, 64>}, {transform_indices = @transform_2, window_bounds = array<i64: 4096, 64>}]} {
    %get3A = arith.constant 0 : index
    %get3A_0 = arith.constant 0 : index
    %get3A_1 = vector.load %arg2[%get3A, %get3A_0] : memref<4096x64xf32, #tpu.memory_space<vmem>>, vector<4096x32xf32>
    %swap3A = arith.constant 0 : index
    %swap3A_2 = arith.constant 0 : index
    %swap3A_3 = vector.load %arg3[%swap3A, %swap3A_2] : memref<4096x64xf32, #tpu.memory_space<vmem>>, vector<4096x32xf32>
    tpu.vector_store %arg3[%swap3A, %swap3A_2], %get3A_1 {strides = array<i32>} : memref<4096x64xf32, #tpu.memory_space<vmem>>, vector<4096x32xf32>,
    %get3A_4 = arith.constant 0 : index
    %get3A_5 = arith.constant 0 : index
    %get3A_6 = vector.load %arg1[%get3A_4, %get3A_5] : memref<4096x32xf32, #tpu.memory_space<vmem>>, vector<4096x32xf32>
    %swap3A_7 = arith.constant 0 : index
    %swap3A_8 = arith.constant 32 : index
    %swap3A_9 = vector.load %arg3[%swap3A_7, %swap3A_8] : memref<4096x64xf32, #tpu.memory_space<vmem>>, vector<4096x32xf32>
    tpu.vector_store %arg3[%swap3A_7, %swap3A_8], %get3A_6 {strides = array<i32>} : memref<4096x64xf32, #tpu.memory_space<vmem>>, vector<4096x32xf32>,
    return
  }
  func.func @transform_0(%arg0: i32) -> (i32, i32) {
    %c0_i32 = arith.constant 0 : i32
    %c0_i32_0 = arith.constant 0 : i32
    return %arg0, %c0_i32 : i32, i32
  }
  func.func @transform_1(%arg0: i32) -> (i32, i32) {
    %c0_i32 = arith.constant 0 : i32
    %c0_i32_0 = arith.constant 0 : i32
    return %arg0, %c0_i32 : i32, i32
  }
  func.func @transform_2(%arg0: i32) -> (i32, i32) {
    %c0_i32 = arith.constant 0 : i32
    %c0_i32_0 = arith.constant 0 : i32
    return %arg0, %c0_i32 : i32, i32
  }
}

</mosaic_0001>

<sc_bundles>
// kernel: kernel.4.cloned.1.call-start
scs
__scs_entry_jumppad:
0x0: {  	(pc) =	sbr.rel $0x88, $3  }
0x1: {  	(tag) =	ssettag $0x0;
	lr =	simm.s32 $0x1  }
0x2: {  	[smem:$0x3F9E] =	sst lr;
	_ =	strace $0xD0000000  }
0x3: {  	_ = 	snop  }
0x4: {  	_ = 	snop  }
0x5: {  	_ = 	snop  }
0x6: {  	_ = 	snop  }
0x7: {  	_ = 	snop  }
__scs_overlays_trampoline_lowered:
0x8: {  	[smem:$0x3FAD] =	sst s0  }
0x9: {  	[smem:$0x3FAE] =	sst s1  }
0xa: {  	[smem:$0x3FAF] =	sst s2  }
0xb: {  	[smem:$0x3FB0] =	sst s3  }
0xc: {  	[smem:$0x3FB1] =	sst s4  }
0xd: {  	[smem:$0x3FB2] =	sst s5  }
0xe: {  	[smem:$0x3FB3] =	sst s6  }
0xf: {  	[smem:$0x3FB4] =	sst s7  }
0x10: {  	[smem:$0x3FB5] =	sst s8  }
0x11: {  	[smem:$0x3FB6] =	sst s9;
	s0 =	simm.s32 @!p0 $0x0  }
0x12: {  	s1 =	sld [smem:$0x3F9C];
	s0 =	simm.s32 @p0 $0x1  }
0x13: {  	[smem:$0x3FB7] =	sst s0;
	s0 =	simm.s32 @!p1 $0x0  }
0x14: {  	s2 =	sld [smem:$0x3F9B];
	s0 =	simm.s32 @p1 $0x1  }
0x15: {  	[smem:$0x3FB8] =	sst s0;
	s0 =	simm.s32 @!p2 $0x0  }
0x16: {  	s3 =	sld [smem:$0x3FDB];
	s0 =	simm.s32 @p2 $0x1  }
0x17: {  	s4 =	simm.s32 $0x1BF5;
	[smem:$0x3FBA] =	sst s0  }
0x18: {  	s0 =	sld [smem:$0x3F9D];
	_ =	swait.ge [sflag:s4], $0x0  }
0x19: {  	s7 =	sld [smem:$0x3F9E]  }
0x1a: {  	s8 =	sadd.s32 $0xFFFFE003, lr  }
0x1b: {  	s9 =	sadd.s32 $0xFFFFFEF7, lr;
	s5 =	simm.s32 $0xFFFFFFFF;
	p2 =	slt.u32 s8, $0xFFFFF086  }
0x1c: {  	p1 =	slt.u32 s9, $0xF7A;
	s5 =	simm.s32 @!p2 $0x0  }
0x1d: {  	s5 =	simm.s32 @p1 $0x1;
	p0 =	seq.s32 s7, s2  }
0x1e: {  	s7 =	smul.u32 @!p0 $0xF7A, s2;
	p2 =	seq.s32 @!p0 s5, $0x0  }
0x1f: {  	s9 =	smul.u32 $0xF7A, s1;
	s8 =	simm.s32 @!p0 $0x1BF5;
	p2 =	por !p2, p0  }
0x20: {  	[sflag:s8] =	ssyncset.s32 @!p0 $0xFFFFF086;
	s6 =	sadd.s32 @!p0 s3, s7;
	s7 =	simm.s32 @!p0 $0x108  }
0x21: {  	s3 =	sadd.s32 s3, s9;
	s6 =	sadd.s32 @!p0 $0x88, s6;
	s7 =	simm.s32 @p2 $0x1082  }
0x22: {  	[simem:s7], [sflag:s8] =	dma.local @!p0 [hbm:s6], $0xF7A  }
0x23: {  	s9 =	sor.u32 $0xD0000000, s2;
	s6 =	simm.s32 $0x108;
	_ =	swait.ge @!p0 [sflag:s8], $0x0  }
0x24: {  	s3 =	sadd.s32 $0x88, s3;
	s6 =	simm.s32 @!p1 $0x1082;
	[sflag:s4] =	ssyncset.s32 $0xFFFFF086  }
0x25: {  	[simem:s6], [sflag:s4] =	dma.local [hbm:s3], $0xF7A  }
0x26: {  	[smem:$0x3F9E] =	sst s1;
	(tag) =	ssettag s2;
	_ =	strace s9  }
0x27: {  	s1 =	sld [smem:$0x3FAE]  }
0x28: {  	s2 =	sld [smem:$0x3FAF]  }
0x29: {  	s4 =	sld [smem:$0x3FB1]  }
0x2a: {  	p0 =	seq.s32 s5, $0x0;
	s5 =	sld [smem:$0x3FB2]  }
0x2b: {  	s6 =	sld [smem:$0x3FB3]  }
0x2c: {  	s7 =	sld [smem:$0x3FB4]  }
0x2d: {  	s3 =	simm.s32 $0x108;
	s8 =	sld [smem:$0x3FB5]  }
0x2e: {  	s3 =	simm.s32 @!p0 $0x1082;
	s9 =	sld [smem:$0x3FB6]  }
0x2f: {  	lr =	sadd.s32 s0, s3;
	s0 =	sld [smem:$0x3FAD]  }
0x30: {  	s3 =	sld [smem:$0x3FB0]  }
0x31: {  	[smem:$0x3FB9] =	sst s10  }
0x32: {  	s10 =	sld [smem:$0x3FB7];
	_ =	sdelay $0x3  }
0x33: {  	p0 =	seq.s32 s10, $0x1;
	s10 =	sld [smem:$0x3FB9];
	_ =	sdelay $0x3  }
0x34: {  	[smem:$0x3FB9] =	sst s10  }
0x35: {  	s10 =	sld [smem:$0x3FB8];
	_ =	sdelay $0x3  }
0x36: {  	p1 =	seq.s32 s10, $0x1;
	s10 =	sld [smem:$0x3FB9];
	_ =	sdelay $0x3  }
0x37: {  	[smem:$0x3FB9] =	sst s10  }
0x38: {  	s10 =	sld [smem:$0x3FBA]  }
0x39: {  	_ = 	snop;
	(pc) =	sbr.ind lr, $3  }
0x3a: {  	_ = 	snop  }
0x3b: {  	_ = 	snop  }
0x3c: {  	p2 =	seq.s32 s10, $0x1;
	s10 =	sld [smem:$0x3FB9]  }
0x3d: {  	_ =	shalt  }
0x3e: {  	_ =	shalt  }
0x3f: {  	_ =	shalt  }
0x40: {  	_ =	shalt  }
0x41: {  	_ =	shalt  }
0x42: {  	_ =	shalt  }
0x43: {  	_ =	shalt  }
0x44: {  	_ =	shalt  }
0x45: {  	_ =	shalt  }
0x46: {  	_ =	shalt  }
0x47: {  	_ =	shalt  }
0x48: {  	_ =	shalt  }
0x49: {  	_ =	shalt  }
0x4a: {  	_ =	shalt  }
0x4b: {  	_ =	shalt  }
0x4c: {  	_ =	shalt  }
0x4d: {  	_ =	shalt  }
0x4e: {  	_ =	shalt  }
0x4f: {  	_ =	shalt  }
0x50: {  	_ =	shalt  }
0x51: {  	_ =	shalt  }
0x52: {  	_ =	shalt  }
0x53: {  	_ =	shalt  }
0x54: {  	_ =	shalt  }
0x55: {  	_ =	shalt  }
0x56: {  	_ =	shalt  }
0x57: {  	_ =	shalt  }
0x58: {  	_ =	shalt  }
0x59: {  	_ =	shalt  }
0x5a: {  	_ =	shalt  }
0x5b: {  	_ =	shalt  }
0x5c: {  	_ =	shalt  }
0x5d: {  	_ =	shalt  }
0x5e: {  	_ =	shalt  }
0x5f: {  	_ =	shalt  }
0x60: {  	_ =	shalt  }
0x61: {  	_ =	shalt  }
0x62: {  	_ =	shalt  }
0x63: {  	_ =	shalt  }
0x64: {  	_ =	shalt  }
0x65: {  	_ =	shalt  }
0x66: {  	_ =	shalt  }
0x67: {  	_ =	shalt  }
0x68: {  	_ =	shalt  }
0x69: {  	_ =	shalt  }
0x6a: {  	_ =	shalt  }
0x6b: {  	_ =	shalt  }
0x6c: {  	_ =	shalt  }
0x6d: {  	_ =	shalt  }
0x6e: {  	_ =	shalt  }
0x6f: {  	_ =	shalt  }
0x70: {  	_ =	shalt  }
0x71: {  	_ =	shalt  }
0x72: {  	_ =	shalt  }
0x73: {  	_ =	shalt  }
0x74: {  	_ =	shalt  }
0x75: {  	_ =	shalt  }
0x76: {  	_ =	shalt  }
0x77: {  	_ =	shalt  }
0x78: {  	_ =	shalt  }
0x79: {  	_ =	shalt  }
0x7a: {  	_ =	shalt  }
0x7b: {  	_ =	shalt  }
0x7c: {  	_ =	shalt  }
0x7d: {  	_ =	shalt  }
0x7e: {  	_ =	shalt  }
0x7f: {  	_ =	shalt  }
0x80: {  	_ =	shalt  }
0x81: {  	_ =	shalt  }
0x82: {  	_ =	shalt  }
0x83: {  	_ =	shalt  }
0x84: {  	_ =	shalt  }
0x85: {  	_ =	shalt  }
0x86: {  	_ =	shalt  }
0x87: {  	_ =	shalt  }
.Lfunc_end0:
.L_simem_size_0:
called_computation.1_lowered:
.L_overlay_start_0:
0x88: {  	s2 =	sld [smem:$0x3FD9]  }
0x89: {  	s3 =	sld [smem:$0x3FFE];
	_ =	sdelay $0x1  }
0x8a: {  	s1 =	srdreg.scid  }
0x8b: {  	s0 =	sand.u32 $0x1, s1  }
0x8c: {  	s16 =	sshll.u32 s0, $0xA;
	s2 =	sadd.s32 s3, s2  }
0x8d: {  	s2 =	sadd.s32 s2, s16  }
0x8e: {  	[smem:$0x3FC5] =	sst s2  }
0x8f: {  	_ = 	snop  }
0x90: {  	(tm) =	ssettm $0x1  }
0x91: {  	s17 =	sld [smem:$0x3FFB];
	_ =	sdelay $0x3  }
0x92: {  	_ =	strace s17  }
0x93: {  	s2 =	sld [smem:$0x3FFC];
	_ =	sdelay $0x3  }
0x94: {  	_ =	strace s2  }
0x95: {  	s2 =	sld [smem:$0x3FFD];
	_ =	sdelay $0x3  }
0x96: {  	_ =	strace s2  }
0x97: {  	_ =	strace $0x8FFFFFFF  }
0x98: {  	s18 =	sld [smem:$0x3FDB];
	_ =	sdelay $0x1  }
0x99: {  	s19 =	simm.s32 $_scs_section_size  }
0x9a: {  	s4 =	simm.s32 $_size__tile_overlayer_lowered;
	s5 =	simm.s32 $_tile_overlayer_lowered  }
0x9b: {  	s22 =	simm.s32 $0x1BFF;
	s21 =	sshll.u32 s5, $0x1;
	s2 =	sadd.s32 s19, s18  }
0x9c: {  	s6 =	simm.s32 $0x0;
	s20 =	sshll.u32 s4, $0x1;
	s4 =	sadd.s32 s21, s2  }
0x9d: {  	[timem:s6], [sflag:s22] =	dma.local [hbm:s4], s20  }
0x9e: {  	_ =	swait.ge [sflag:s22], s20  }
0x9f: {  	s3 =	ssub.s32 $0x0, s20;
	[sflag:s22] =	ssyncset.done $0x0  }
0xa0: {  	[sflag:s22] =	ssyncadd.s32 s3;
	_ =	sdelay $0x1  }
0xa1: {  	s23 =	simm.s32 $0x1B8B  }
0xa2: {  	_ =	swait.ge [sflag:s23], $0x1  }
0xa3: {  	[sflag:s23] =	ssyncset.done $0x0  }
0xa4: {  	s25 =	simm.s32 $0x1B8E;
	s24 =	sld [smem:$0x3FFE];
	[sflag:s23] =	ssyncadd.s32 $0xFFFFFFFF  }
0xa5: {  	s26 =	simm.s32 $execute0_lowered;
	[smem:$0x3FD2] =	sst s25  }
0xa6: {  	s4 =	sshll.u32 s26, $0x1;
	_ =	strace $0x80000046;
	[dreg:$0x1] =	wrdreg $0xFFFFFFFF  }
0xa7: {  	s28 =	simm.s32 $_size_execute0_lowered;
	s2 =	sadd.s32 s2, s4;
	[dreg:$0x0] =	wrdreg $0x0  }
0xa8: {  	s4 =	sshll.u32 s28, $0x1;
	[dreg:$0x2] =	wrdreg s2  }
0xa9: {  	[dreg:$0x3] =	wrdreg s4  }
0xaa: {  	[dreg:$0x4] =	wrdreg $0xC0  }
0xab: {  	_ =	task [dreg:s6], $0x5FFFF  }
0xac: {  	[dreg:$0x1] =	wrdreg $0xFFFFFFFF  }
0xad: {  	[dreg:$0x0] =	wrdreg $0x60  }
0xae: {  	[dreg:$0x2] =	wrdreg s24  }
0xaf: {  	[dreg:$0x3] =	wrdreg $0x164000  }
0xb0: {  	[dreg:$0x4] =	wrdreg $0x9  }
0xb1: {  	_ =	task.clear_ibuf [dreg:s6], $0x5FFFF;
	_ =	strace $0x90000046  }
0xb2: {  	s29 =	simm.s32 $0x9;
	_ =	strace $0x80000048  }
0xb3: {  	_ =	swait.ge [sflag:s29], $0x1  }
0xb4: {  	[sflag:s29] =	ssyncadd.s32 $0xFFFFFFFF  }
0xb5: {  	_ =	strace $0x90000048  }
0xb6: {  	_ =	sfence  }
0xb7: {  	s30 =	sld [smem:$0x0];
	_ =	sdelay $0x2  }
0xb8: {  	s31 =	sshll.u32 s1, $0xD;
	s1 =	sshrl.u32 s1, $0x2  }
0xb9: {  	s3 =	sand.u32 $0x4000, s31;
	s1 =	sadd.s32 s1, s30  }
0xba: {  	s0 =	sor.u32 s3, s0;
	s1 =	sshll.u32 s1, $0x11  }
0xbb: {  	s0 =	sor.u32 s1, s0  }
0xbc: {  	s0 =	sadd.s32 $0x8F2B, s0  }
0xbd: {  	[sflag:s0] =	ssyncadd.remote.s32 $0x1  }
0xbe: {  	_ =	sfence.sel $0xFFFF  }
0xbf: {  	[dreg:$0x0] =	wrdreg $0xFFFFFFFF;
	(pc) =	sbr.abs _section_cstart, $3  }
0xc0: {  	[dreg:$0x1] =	wrdreg $0xFFFFFFFF  }
0xc1: {  	_ =	task.clear_ibuf [dreg:s6], $0x2FFFF;
	_ =	strace $0x9FFFFFFF  }
0xc2: {  	(tm) =	ssettm $0x7FFFFFFF  }
0xc3: {  	_ =	shalt  }
tec
execute0_lowered:
.L_overlay_start_1:
0x0: {  	(tag) =	ssettag $0x1  }
0x1: {  	s0 =	srdreg.scid;
	s1 =	rddreg [dreg:$0x0]  }
0x2: {  	s15 =	stileid.u32;
	s6 =	rddreg [dreg:$0x1]  }
0x3: {  	s13 =	simm.s32 $0x7;
	s14 =	simm.s32 $0x80;
	s22 =	simm.s32 $0x1  }
0x4: {  	s24 =	simm.s32 $0x2;
	s25 =	simm.s32 $0x5;
	s28 =	simm.s32 $0x6  }
0x5: {  	s29 =	simm.s32 $0x4;
	s30 =	simm.s32 $0x0;
	s0 =	sand.u32 $0x1, s0  }
0x6: {  	s5 =	smul.u32 $0x22000, s15;
	s3 =	sadd.s32 $0x19800, s1;
	s20 =	sshll.u32 s15, $0x6  }
0x7: {  	s2 =	sshll.u32 s0, $0x4;
	s0 =	ssub.s32 $0x2, s0;
	s23 =	sor.u32 $0x1C05, s20  }
0x8: {  	s7 =	sor.u32 s15, s2;
	s2 =	simm.s32 $0x0;
	s26 =	sshrl.u32 s0, $0x1  }
0x9: {  	s9 =	sshrl.u32 s5, $0x2;
	s11 =	smul.u32 $0x6400, s7;
	[smem:$0x7FF] =	sst s2  }
0xa: {  	s0 =	ssub.s32 s0, s26;
	s31 =	sadd.s32 s9, s6;
	s7 =	smul.u32 $0x320000, s7  }
0xb: {  	s26 =	simm.s32 $0x3;
	_ =	strace $0x80000047;
	s6 =	sadd.s32 $0x400, s31  }
0xc: {  	s12 =	smax.u32 s0, $0x1;
	s4 =	sshrl.u32 s11, $0x3;
	s9 =	sor.u32 $0x80, s11  }
0xd: {  	s10 =	sor.u32 $0x100, s11;
	s11 =	sor.u32 $0x180, s11;
	s8 =	sadd.s32 s4, s1  }
0xe: {  	s4 =	sadd.s32 $0x1A0400, s1;
	s5 =	sadd.s32 $0x800, s8;
	s8 =	sadd.s32 $0x4800, s31  }
.LBB2_1:
0xf: {  	[tilespmem:s2], [sflag:$0x7] =	stream.linear.gather [hbm4b:s5+s2], $0x6400, $0x38;
	[tilespmem:$0x1A800] =	vst v63  }
0x10: {  	_ =	swait.ge [sflag:s13], $0x6400  }
0x11: {  	[sflag:s13] =	ssyncset.done $0x0  }
0x12: {  	s0 =	simm.s32 $0x6400;
	[sflag:s13] =	ssyncadd.s32 $0xFFFF9C00  }
0x13: {  	[tilespmem:s0], [sflag:$0x1] =	stream.indirect.gather [hbm4b:s3+s14], $0x80, s2, s14, $0xb8;
	[tilespmem:$0x1A800] =	vst v63  }
0x14: {  	s17 =	simm.s32 $0xA400  }
0x15: {  	[tilespmem:s17], [sflag:$0x2] =	stream.indirect.gather [hbm4b:s3+s14], $0x80, s14, s14, $0xb8;
	[tilespmem:$0x1A800] =	vst v63  }
0x16: {  	s18 =	simm.s32 $0x100;
	s1 =	simm.s32 $0xE400  }
0x17: {  	[tilespmem:s1], [sflag:$0x3] =	stream.indirect.gather [hbm4b:s3+s14], $0x80, s18, s14, $0xb8;
	[tilespmem:$0x1A800] =	vst v63  }
0x18: {  	s19 =	simm.s32 $0x180;
	s21 =	simm.s32 $0x12400;
	s31 =	simm.s32 $0x0  }
0x19: {  	[tilespmem:s21], [sflag:$0x4] =	stream.indirect.gather [hbm4b:s3+s14], $0x80, s19, s14, $0xb8;
	[tilespmem:$0x1A800] =	vst v63  }
.LBB2_2:
0x1a: {  	p1 =	seq.s32 s31, $0x0  }
0x1b: {  	s0 =	simm.s32 @!p1 $0x5  }
0x1c: {  	_ =	swait.ge @!p1 [sflag:s0], $0x800  }
0x1d: {  	[sflag:s0] =	ssyncset.done @!p1 $0x0  }
0x1e: {  	[sflag:s0] =	ssyncadd.s32 @!p1 $0xFFFFF800  }
0x1f: {  	_ =	swait.ge [sflag:s22], $0x4000  }
0x20: {  	s1 =	sshll.u32 s31, $0x9;
	s15 =	simm.s32 $0x6400;
	[sflag:s22] =	ssyncset.done $0x0  }
0x21: {  	s16 =	sadd.s32 $0x0, s6;
	s0 =	simm.s32 $0x200;
	[sflag:s22] =	ssyncadd.s32 $0xFFFFC000  }
.LBB2_3:
0x22: {  	[spmem:s16] =	stream.linear.scatter [tilespmem:s15], [sflag:$0x7], $0x20, $0x38;
	[tilespmem:$0x1A800] =	vst v63  }
0x23: {  	s15 =	smov.u32 s0;
	p0 =	sne.s32 s0, $0xFE00  }
.Ltmp0:
0x24: {  	s0 =	sadd.s32 $0x200, s0;
	(pc) =	sbr.rel @p0 .LBB2_3-.Ltmp0, $3  }
0x25: {  	_ =	sdelay $0x1  }
0x26: {  	s16 =	sshra.s32 s15, $0x2  }
0x27: {  	s15 =	sadd.s32 $0x6400, s16;
	s16 =	sadd.s32 s16, s6  }
0x28: {  	[spmem:s16] =	stream.linear.scatter [tilespmem:s15], [sflag:$0x7], $0x20, $0x38;
	[tilespmem:$0x1A800] =	vst v63  }
0x29: {  	p0 =	seq.s32 s31, $0x31  }
0x2a: {  	s19 =	sshll.u32 s31, $0x10;
	_ =	swait.ge [sflag:s13], $0x1000;
	s0 =	sshll.u32 @!p0 s31, $0x9  }
0x2b: {  	s16 =	simm.s32 @!p0 $0x80;
	[sflag:s13] =	ssyncset.done $0x0;
	s0 =	sand.u32 @!p0 $0x3FFFFE00, s0  }
0x2c: {  	s17 =	simm.s32 @!p0 $0x6400;
	[sflag:s13] =	ssyncadd.s32 $0xFFFFF000;
	s15 =	sadd.s32 @!p0 $0x200, s0  }
0x2d: {  	[tilespmem:s17], [sflag:$0x1] =	stream.indirect.gather @!p0 [hbm4b:s3+s16], $0x80, s15, s16, $0xb8;
	[tilespmem:$0x1A800] =	vst v63  }
0x2e: {  	s15 =	sadd.s32 s7, s19  }
0x2f: {  	s15 =	sshrl.u32 s15, $0x3  }
0x30: {  	s16 =	simm.s32 @!p1 $0x6;
	s21 =	sadd.s32 s4, s15;
	s15 =	sshrl.u32 s6, $0x3  }
0x31: {  	[hbm:s21], [sflag:s23] =	dma.local [spmem:s15], $0x800  }
0x32: {  	_ =	swait.ge @!p1 [sflag:s16], $0x800  }
0x33: {  	[sflag:s16] =	ssyncset.done @!p1 $0x0  }
0x34: {  	[sflag:s16] =	ssyncadd.s32 @!p1 $0xFFFFF800  }
0x35: {  	_ =	swait.ge [sflag:s24], $0x4000  }
0x36: {  	s18 =	sadd.s32 $0x0, s8;
	[sflag:s24] =	ssyncset.done $0x0  }
0x37: {  	s17 =	simm.s32 $0xA400;
	s16 =	simm.s32 $0x200;
	[sflag:s24] =	ssyncadd.s32 $0xFFFFC000  }
.LBB2_5:
0x38: {  	[spmem:s18] =	stream.linear.scatter [tilespmem:s17], [sflag:$0x7], $0x20, $0x38;
	[tilespmem:$0x1A800] =	vst v63  }
0x39: {  	s17 =	smov.u32 s16;
	p1 =	sne.s32 s16, $0xFE00  }
.Ltmp1:
0x3a: {  	s16 =	sadd.s32 $0x200, s16;
	(pc) =	sbr.rel @p1 .LBB2_5-.Ltmp1, $3  }
0x3b: {  	_ =	sdelay $0x1  }
0x3c: {  	s18 =	sshra.s32 s17, $0x2  }
0x3d: {  	s17 =	sadd.s32 $0xA400, s18;
	s18 =	sadd.s32 s18, s8  }
0x3e: {  	[spmem:s18] =	stream.linear.scatter [tilespmem:s17], [sflag:$0x7], $0x20, $0x38;
	[tilespmem:$0x1A800] =	vst v63  }
0x3f: {  	_ =	swait.ge [sflag:s13], $0x1000  }
0x40: {  	s16 =	sadd.s32 @!p0 $0x280, s0;
	s17 =	simm.s32 @!p0 $0x80;
	[sflag:s13] =	ssyncset.done $0x0  }
0x41: {  	s18 =	simm.s32 @!p0 $0xA400;
	s19 =	sadd.s32 s1, s9;
	[sflag:s13] =	ssyncadd.s32 $0xFFFFF000  }
0x42: {  	[tilespmem:s18], [sflag:$0x2] =	stream.indirect.gather @!p0 [hbm4b:s3+s17], $0x80, s16, s17, $0xb8;
	[tilespmem:$0x1A800] =	vst v63  }
0x43: {  	s16 =	sshll.u32 s19, $0x4  }
0x44: {  	s17 =	sshrl.u32 s8, $0x3;
	s21 =	sadd.s32 s4, s16;
	s16 =	sor.u32 $0x1C06, s20  }
0x45: {  	[hbm:s21], [sflag:s16] =	dma.local [spmem:s17], $0x800  }
0x46: {  	_ =	swait.ge [sflag:s25], $0x800  }
0x47: {  	[sflag:s25] =	ssyncset.done $0x0  }
0x48: {  	[sflag:s25] =	ssyncadd.s32 $0xFFFFF800  }
0x49: {  	_ =	swait.ge [sflag:s26], $0x4000  }
0x4a: {  	s18 =	simm.s32 $0x200;
	[sflag:s26] =	ssyncset.done $0x0  }
0x4b: {  	s19 =	simm.s32 $0xE400;
	s21 =	sadd.s32 $0x0, s6;
	[sflag:s26] =	ssyncadd.s32 $0xFFFFC000  }
.LBB2_7:
0x4c: {  	[spmem:s21] =	stream.linear.scatter [tilespmem:s19], [sflag:$0x7], $0x20, $0x38;
	[tilespmem:$0x1A800] =	vst v63  }
0x4d: {  	s19 =	smov.u32 s18;
	p1 =	sne.s32 s18, $0xFE00  }
.Ltmp2:
0x4e: {  	s18 =	sadd.s32 $0x200, s18;
	(pc) =	sbr.rel @p1 .LBB2_7-.Ltmp2, $3  }
0x4f: {  	_ =	sdelay $0x1  }
0x50: {  	s21 =	sshra.s32 s19, $0x2  }
0x51: {  	s19 =	sadd.s32 $0xE400, s21;
	s21 =	sadd.s32 s21, s6  }
0x52: {  	[spmem:s21] =	stream.linear.scatter [tilespmem:s19], [sflag:$0x7], $0x20, $0x38;
	[tilespmem:$0x1A800] =	vst v63  }
0x53: {  	_ =	swait.ge [sflag:s13], $0x1000  }
0x54: {  	s18 =	sadd.s32 @!p0 $0x300, s0;
	[sflag:s13] =	ssyncset.done $0x0  }
0x55: {  	s19 =	simm.s32 @!p0 $0x80;
	s21 =	simm.s32 @!p0 $0xE400;
	[sflag:s13] =	ssyncadd.s32 $0xFFFFF000  }
0x56: {  	[tilespmem:s21], [sflag:$0x3] =	stream.indirect.gather @!p0 [hbm4b:s3+s19], $0x80, s18, s19, $0xb8;
	[tilespmem:$0x1A800] =	vst v63  }
0x57: {  	s21 =	sadd.s32 s1, s10  }
0x58: {  	s18 =	sshll.u32 s21, $0x4  }
0x59: {  	s18 =	sadd.s32 s4, s18  }
0x5a: {  	[hbm:s18], [sflag:s23] =	dma.local [spmem:s15], $0x800  }
0x5b: {  	_ =	swait.ge [sflag:s28], $0x800  }
0x5c: {  	[sflag:s28] =	ssyncset.done $0x0  }
0x5d: {  	[sflag:s28] =	ssyncadd.s32 $0xFFFFF800  }
0x5e: {  	_ =	swait.ge [sflag:s29], $0x4000  }
0x5f: {  	s19 =	sadd.s32 $0x0, s8;
	[sflag:s29] =	ssyncset.done $0x0  }
0x60: {  	s15 =	simm.s32 $0x200;
	s18 =	simm.s32 $0x12400;
	[sflag:s29] =	ssyncadd.s32 $0xFFFFC000  }
.LBB2_9:
0x61: {  	[spmem:s19] =	stream.linear.scatter [tilespmem:s18], [sflag:$0x7], $0x20, $0x38;
	[tilespmem:$0x1A800] =	vst v63  }
0x62: {  	s18 =	smov.u32 s15;
	p1 =	sne.s32 s15, $0xFE00  }
.Ltmp3:
0x63: {  	s15 =	sadd.s32 $0x200, s15;
	(pc) =	sbr.rel @p1 .LBB2_9-.Ltmp3, $3  }
0x64: {  	_ =	sdelay $0x1  }
0x65: {  	s19 =	sshra.s32 s18, $0x2  }
0x66: {  	s18 =	sadd.s32 $0x12400, s19;
	s19 =	sadd.s32 s19, s8  }
0x67: {  	[spmem:s19] =	stream.linear.scatter [tilespmem:s18], [sflag:$0x7], $0x20, $0x38;
	[tilespmem:$0x1A800] =	vst v63  }
0x68: {  	_ =	swait.ge [sflag:s13], $0x1000  }
0x69: {  	s0 =	sadd.s32 @!p0 $0x380, s0;
	s15 =	simm.s32 @!p0 $0x80;
	[sflag:s13] =	ssyncset.done $0x0  }
0x6a: {  	s18 =	simm.s32 @!p0 $0x12400;
	s31 =	sadd.s32 $0x1, s31;
	[sflag:s13] =	ssyncadd.s32 $0xFFFFF000  }
0x6b: {  	[tilespmem:s18], [sflag:$0x4] =	stream.indirect.gather @!p0 [hbm4b:s3+s15], $0x80, s0, s15, $0xb8;
	[tilespmem:$0x1A800] =	vst v63  }
0x6c: {  	p0 =	sne.s32 s31, $0x32  }
.Ltmp4:
0x6d: {  	_ = 	snop;
	(pc) =	sbr.rel @p0 .LBB2_2-.Ltmp4, $4  }
0x6e: {  	s21 =	sadd.s32 s1, s11  }
0x6f: {  	s0 =	sshll.u32 s21, $0x4  }
0x70: {  	s0 =	sadd.s32 s4, s0  }
0x71: {  	[hbm:s0], [sflag:s16] =	dma.local [spmem:s17], $0x800  }
0x72: {  	s30 =	sadd.s32 $0x1, s30  }
0x73: {  	_ =	swait.ge [sflag:s25], $0x800;
	p0 =	sne.s32 s30, s12  }
.Ltmp5:
0x74: {  	[sflag:s25] =	ssyncset.done $0x0;
	(pc) =	sbr.rel @p0 .LBB2_1-.Ltmp5, $4  }
0x75: {  	[sflag:s25] =	ssyncadd.s32 $0xFFFFF800  }
0x76: {  	_ =	swait.ge [sflag:s28], $0x800  }
0x77: {  	[sflag:s28] =	ssyncset.done $0x0  }
0x78: {  	[sflag:s28] =	ssyncadd.s32 $0xFFFFF800  }
0x79: {  	_ =	sfence.sel $0x180000  }
0x7a: {  	[bflag:$0x0] =	sbarrier.arrive $0xFFFF  }
0x7b: {  	_ =	strace $0x90000047  }
0x7c: {  	s0 =	stileid.u32;
	[bflag:$0x2] =	sbarrier.arrive $0xFFFF  }
0x7d: {  	p0 =	sne.s32 s0, $0x0;
	s0 =	rddreg [dreg:$0x2]  }
0x7e: {  	s0 =	sadd.s32 @!p0 $0x100000, s0  }
0x7f: {  	[sflag:s0] =	ssyncadd.tile.s32 @!p0 $0x1;
	_ =	shalt  }
.Lfunc_end2:
_tile_overlayer_lowered:
.L_overlay_start_2:
0x80: {  	(tag) =	ssettag $0x2  }
0x81: {  	s0 =	rddreg [dreg:$0x0];
	s2 =	stileid.u32  }
0x82: {  	s1 =	rddreg [dreg:$0x1];
	p0 =	sne.s32 s2, $0x0  }
0x83: {  	s3 =	rddreg [dreg:$0x2];
	[bflag:$0x3] =	sbarrier.arrive $0xFFFF;
	s2 =	simm.s32 @!p0 $0x1C07  }
0x84: {  	[timem:s3], [sflag:s2] =	dma.local @!p0 [hbm:s0], s1  }
0x85: {  	s0 =	simm.s32 @!p0 $0x7  }
0x86: {  	_ =	swait.ge @!p0 [sflag:s0], s1  }
0x87: {  	s1 =	ssub.s32 @!p0 $0x0, s1;
	[sflag:s0] =	ssyncset.done @!p0 $0x0  }
0x88: {  	[sflag:s0] =	ssyncadd.s32 @!p0 s1  }
0x89: {  	[bflag:$0x3] =	sbarrier.arrive $0xFFFF  }
0x8a: {  	_ =	shalt  }

// kernel: sparse-core-data-format-call.cloned.1.call-start
scs
called_computation_lowered:
.L_overlay_start_0:
0x0: {  	s2 =	sld [smem:$0x3FD9]  }
0x1: {  	s3 =	sld [smem:$0x3FFE];
	_ =	sdelay $0x1  }
0x2: {  	s1 =	srdreg.scid  }
0x3: {  	s0 =	sand.u32 $0x1, s1  }
0x4: {  	s18 =	sshll.u32 s0, $0xA;
	s2 =	sadd.s32 s3, s2  }
0x5: {  	s2 =	sadd.s32 s2, s18  }
0x6: {  	[smem:$0x3FC5] =	sst s2  }
0x7: {  	_ = 	snop  }
0x8: {  	s2 =	sld [smem:$0x3FD0];
	(tm) =	ssettm $0x1  }
0x9: {  	s19 =	sld [smem:$0x3FFB];
	_ =	sdelay $0x3  }
0xa: {  	_ =	strace s19  }
0xb: {  	s3 =	sld [smem:$0x3FFC];
	_ =	sdelay $0x3  }
0xc: {  	_ =	strace s3  }
0xd: {  	s3 =	sld [smem:$0x3FFD];
	_ =	sdelay $0x3  }
0xe: {  	_ =	strace s3  }
0xf: {  	_ =	strace $0x8FFFFFFF  }
0x10: {  	s20 =	sld [smem:$0x3FDB];
	_ =	sdelay $0x1  }
0x11: {  	s4 =	simm.s32 $_scs_section_size  }
0x12: {  	s5 =	simm.s32 $_size__tile_overlayer_lowered;
	s6 =	simm.s32 $_tile_overlayer_lowered  }
0x13: {  	s23 =	simm.s32 $0x1BFF;
	s22 =	sshll.u32 s6, $0x1;
	s3 =	sadd.s32 s4, s20  }
0x14: {  	s7 =	simm.s32 $0x0;
	s21 =	sshll.u32 s5, $0x1;
	s5 =	sadd.s32 s22, s3  }
0x15: {  	[timem:s7], [sflag:s23] =	dma.local [hbm:s5], s21  }
0x16: {  	_ =	swait.ge [sflag:s23], s21  }
0x17: {  	s4 =	ssub.s32 $0x0, s21;
	[sflag:s23] =	ssyncset.done $0x0  }
0x18: {  	[sflag:s23] =	ssyncadd.s32 s4;
	_ =	sdelay $0x1  }
0x19: {  	s24 =	simm.s32 $0x1B8B  }
0x1a: {  	_ =	swait.ge [sflag:s24], $0x1  }
0x1b: {  	[sflag:s24] =	ssyncset.done $0x0  }
0x1c: {  	s26 =	simm.s32 $0x1B8E;
	s25 =	sld [smem:$0x3FFE];
	[sflag:s24] =	ssyncadd.s32 $0xFFFFFFFF  }
0x1d: {  	s27 =	simm.s32 $execute0_lowered;
	[smem:$0x3FD2] =	sst s26  }
0x1e: {  	s5 =	sshll.u32 s27, $0x1;
	_ =	strace $0x80000049;
	[dreg:$0x1] =	wrdreg $0xFFFFFFFF  }
0x1f: {  	s28 =	simm.s32 $_size_execute0_lowered;
	s3 =	sadd.s32 s3, s5;
	[dreg:$0x0] =	wrdreg $0x0  }
0x20: {  	s5 =	sshll.u32 s28, $0x1;
	[dreg:$0x2] =	wrdreg s3  }
0x21: {  	[dreg:$0x3] =	wrdreg s5  }
0x22: {  	[dreg:$0x4] =	wrdreg $0xC0  }
0x23: {  	_ =	task [dreg:s7], $0x5FFFF  }
0x24: {  	[dreg:$0x1] =	wrdreg $0xFFFFFFFF  }
0x25: {  	[dreg:$0x0] =	wrdreg $0x60  }
0x26: {  	[dreg:$0x2] =	wrdreg s25  }
0x27: {  	[dreg:$0x3] =	wrdreg s2  }
0x28: {  	[dreg:$0x4] =	wrdreg $0x9  }
0x29: {  	_ =	task.clear_ibuf [dreg:s7], $0x5FFFF;
	_ =	strace $0x90000049  }
0x2a: {  	s29 =	simm.s32 $0x9;
	_ =	strace $0x8000004B  }
0x2b: {  	_ =	swait.ge [sflag:s29], $0x1  }
0x2c: {  	[sflag:s29] =	ssyncadd.s32 $0xFFFFFFFF  }
0x2d: {  	_ =	strace $0x9000004B  }
0x2e: {  	_ =	sfence  }
0x2f: {  	s30 =	sld [smem:$0x0];
	_ =	sdelay $0x2  }
0x30: {  	s31 =	sshll.u32 s1, $0xD;
	s1 =	sshrl.u32 s1, $0x2  }
0x31: {  	s3 =	sand.u32 $0x4000, s31;
	s1 =	sadd.s32 s1, s30  }
0x32: {  	s0 =	sor.u32 s3, s0;
	s1 =	sshll.u32 s1, $0x11  }
0x33: {  	s0 =	sor.u32 s1, s0  }
0x34: {  	s0 =	sadd.s32 $0x8F2B, s0  }
0x35: {  	[sflag:s0] =	ssyncadd.remote.s32 $0x1  }
0x36: {  	_ =	sfence.sel $0xFFFF  }
0x37: {  	[dreg:$0x0] =	wrdreg $0xFFFFFFFF;
	(pc) =	sbr.abs _section_cstart, $3  }
0x38: {  	[dreg:$0x1] =	wrdreg $0xFFFFFFFF  }
0x39: {  	_ =	task.clear_ibuf [dreg:s7], $0x2FFFF;
	_ =	strace $0x9FFFFFFF  }
0x3a: {  	(tm) =	ssettm $0x7FFFFFFF  }
0x3b: {  	_ =	shalt  }
tec
execute0_lowered:
.L_overlay_start_1:
0x0: {  	(tag) =	ssettag $0x1  }
0x1: {  	s0 =	srdreg.scid  }
0x2: {  	s1 =	sshll.u32 s0, $0x4  }
0x3: {  	s0 =	stileid.u32;
	s1 =	sand.u32 $0x10, s1  }
0x4: {  	s1 =	sor.u32 s0, s1  }
0x5: {  	s6 =	rddreg [dreg:$0x0];
	s4 =	simm.s32 $0x1;
	s2 =	sshll.u32 s1, $0x7  }
0x6: {  	s7 =	simm.s32 $0x2;
	s12 =	simm.s32 $0x0;
	s1 =	ssub.s32 $0x1000, s2  }
0x7: {  	s8 =	simm.s32 $0x8000;
	s13 =	simm.s32 $0x0;
	s3 =	sand.u32 $0xF80, s1  }
0x8: {  	s9 =	simm.s32 $0x0;
	s5 =	sshrl.u32 s1, $0xC;
	p0 =	sne.s32 s3, $0x0  }
.Ltmp0:
0x9: {  	s1 =	rddreg [dreg:$0x2];
	s4 =	simm.s32 @!p0 $0x0;
	(pc) =	sbr.rel .LBB1_1-.Ltmp0, $4  }
0xa: {  	s11 =	simm.s32 $0x0;
	s3 =	rddreg [dreg:$0x1];
	s5 =	sadd.s32 s4, s5  }
0xb: {  	_ =	strace $0x8000004A;
	s4 =	simm.s32 $0x1;
	s5 =	smul.u32 $0xC8, s5  }
0xc: {  	s6 =	sadd.s32 $0x1A0400, s6;
	s10 =	smov.u32 s2;
	[sflag:s4] =	ssyncpa.u1 $0x0  }
0xd: {  	p0 =	por $0x0, $0x0;
	[sflag:s7] =	ssyncpa.u1 $0x0;
	s7 =	sor.u32 $0x1, s5  }
.LBB1_4:
0xe: {  	s16 =	sshll.u32 s13, $0x3;
	s17 =	sand.u32 $0x78, s13  }
0xf: {  	s30 =	sand.u32 $0x7E00, s13;
	s12 =	sshll.u32 s12, $0xF;
	s16 =	sand.u32 $0xC00, s16  }
0x10: {  	[tilespmem:s15+$0x810 ss:$0x81] =	vst.msk $0xffff, v2;
	s31 =	sand.u32 $0x7, s13;
	s16 =	sor.u32 s17, s16;
	s17 =	sadd.s32 s3, s30  }
0x11: {  	[tilespmem:s15+$0x1020 ss:$0x81] =	vst.msk $0xffff, v0;
	s13 =	sshll.u32 s31, $0x12;
	s12 =	sadd.s32 s12, s17;
	s16 =	sshrl.u32 s16, $0x3  }
0x12: {  	[tilespmem:s15+$0x0 ss:$0x81] =	vst.msk $0xffff, v1;
	s13 =	sor.u32 $0x400, s13;
	s12 =	sadd.s32 s16, s12  }
0x13: {  	[hbm4b:s12+s13] =	stream.strided.scatter [tilespmem:s14], [sflag:$0x2], $0x2000, s8, s13, $0x20;
	[tilespmem:$0x8080] =	vst v63  }
.LBB1_5:
0x14: {  	s14 =	sadd.s32 $0x1, s9  }
0x15: {  	s12 =	sadd.s32 $0x1000, s10;
	s16 =	smov.u32 s10;
	p2 =	sgt.s32 s14, $0xC7  }
0x16: {  	s16 =	smov.u32 @p2 s12  }
0x17: {  	s14 =	simm.s32 @p2 $0x0;
	p2 =	sgt.s32 s16, $0xFFF  }
0x18: {  	s16 =	smov.u32 @p2 s2;
	p2 =	sne.s32 s11, s7  }
.Ltmp1:
0x19: {  	p1 =	slt.u32 s11, $0x2;
	(pc) =	sbr.rel @!p2 .LBB1_6-.Ltmp1, $4  }
0x1a: {  	s15 =	simm.s32 @!p1 $0x2  }
0x1b: {  	s13 =	smov.u32 s10;
	p0 =	por !p0, !p0;
	_ =	swait.ge @!p1 [sflag:s15], $0x2000  }
0x1c: {  	s12 =	smov.u32 s9;
	[sflag:s15] =	ssyncset.done @!p1 $0x0;
	s9 =	smov.u32 s14  }
0x1d: {  	s11 =	sadd.s32 $0x1, s11;
	[sflag:s15] =	ssyncadd.s32 @!p1 $0xFFFFE000;
	s10 =	smov.u32 s16  }
.LBB1_1:
0x1e: {  	p1 =	sge.u32 s11, s5  }
0x1f: {  	s14 =	sand.u32 @!p1 $0x1FFFFFF, s9  }
0x20: {  	s15 =	smulhi.u32 @!p1 $0x147AE15, s14;
	_ =	sdelay $0x1  }
0x21: {  	s15 =	smul.u32 @!p1 $0xC8, s15  }
0x22: {  	s16 =	sxor.u32 @!p1 $0xFFFFFFFF, s11;
	s17 =	smul.u32 @!p1 $0xC80, s10  }
0x23: {  	s31 =	sadd.s32 $0xFFFFFFFF, s11;
	s16 =	sshll.u32 @!p1 s16, $0xD;
	s14 =	ssub.s32 @!p1 s14, s15  }
0x24: {  	s15 =	sand.u32 @!p1 $0x2000, s16;
	s16 =	sadd.s32 @!p1 s6, s17;
	s14 =	sshll.u32 @!p1 s14, $0x4  }
0x25: {  	s17 =	simm.s32 @!p1 $0x6400;
	s14 =	sadd.s32 @!p1 s14, s16;
	s16 =	simm.s32 @!p1 $0x40  }
0x26: {  	[tilespmem:s15], [sflag:$0x1] =	stream.strided.gather @!p1 [hbm4b:s14+s16], $0x2000, s17, s16, $0x38;
	[tilespmem:$0x8080] =	vst v63  }
0x27: {  	p1 =	sge.u32 s31, s5  }
.Ltmp2:
0x28: {  	_ = 	snop;
	(pc) =	sbr.rel @p1 .LBB1_5-.Ltmp2, $1  }
0x29: {  	_ =	sdelay $0x3  }
0x2a: {  	s14 =	simm.s32 $0x1  }
0x2b: {  	_ =	swait.ge [sflag:s4], $0x2000;
	s14 =	simm.s32 @!p0 $0x0  }
0x2c: {  	[sflag:s4] =	ssyncset.done $0x0;
	s15 =	sshll.u32 s14, $0xD  }
0x2d: {  	[sflag:s4] =	ssyncadd.s32 $0xFFFFE000;
	s18 =	sor.u32 $0x20, s15  }
0x2e: {  	s14 =	smul.u32 $0x8100, s14;
	v3 =	vld [tilespmem:s18+$0x10]  }
0x2f: {  	s30 =	sand.u32 $0x1, s11;
	v2 =	vld [tilespmem:s18+$0xFFFFFFF0]  }
0x30: {  	s15 =	smul.u32 $0x8100, s30;
	s14 =	sshrl.u32 s14, $0x2;
	v0 =	vld [tilespmem:s18+$0x0]  }
0x31: {  	v1 =	vld [tilespmem:s18+$0xFFFFFFE0];
	s16 =	sor.u32 $0x4000, s14  }
0x32: {  	s31 =	sshrl.u32 s15, $0x2;
	s15 =	sadd.s32 $0x0, s16  }
0x33: {  	s17 =	simm.s32 $0x4;
	s18 =	sadd.s32 $0x40, s18;
	s14 =	sor.u32 $0x4000, s31;
	[tilespmem:s15+$0x1830 ss:$0x81] =	vst.msk $0xffff, v3  }
.LBB1_3:
0x34: {  	v3 =	vld [tilespmem:s18+$0x10];
	p1 =	sne.s32 s17, $0x1FC;
	[tilespmem:s15+$0x810 ss:$0x81] =	vst.msk $0xffff, v2;
	s19 =	smov.u32 s17;
	s17 =	sadd.s32 $0x4, s17  }
.Ltmp3:
0x35: {  	v2 =	vld [tilespmem:s18+$0xFFFFFFF0];
	[tilespmem:s15+$0x1020 ss:$0x81] =	vst.msk $0xffff, v0;
	(pc) =	sbr.rel @p1 .LBB1_3-.Ltmp3, $4  }
0x36: {  	v0 =	vld [tilespmem:s18+$0x0];
	[tilespmem:s15+$0x0 ss:$0x81] =	vst.msk $0xffff, v1  }
0x37: {  	s15 =	sshra.s32 s19, $0x2;
	v1 =	vld [tilespmem:s18+$0xFFFFFFE0]  }
0x38: {  	s15 =	sadd.s32 s15, s16  }
0x39: {  	s18 =	sadd.s32 $0x40, s18;
	[tilespmem:s15+$0x1830 ss:$0x81] =	vst.msk $0xffff, v3  }
.Ltmp4:
0x3a: {  	_ = 	snop;
	(pc) =	sbr.rel .LBB1_4-.Ltmp4, $1  }
0x3b: {  	_ =	sdelay $0x3  }
.LBB1_6:
0x3c: {  	_ =	sfence.sel $0x180000  }
0x3d: {  	s2 =	simm.s32 $0x1;
	[bflag:$0x0] =	sbarrier.arrive $0xFFFF  }
0x3e: {  	s31 =	simm.s32 $0x2;
	[sflag:s2] =	ssyncpa.u1 $0x1  }
0x3f: {  	[sflag:s31] =	ssyncpa.u1 $0x1  }
0x40: {  	p0 =	sne.s32 s0, $0x0;
	_ =	strace $0x9000004A  }
0x41: {  	s0 =	sadd.s32 @!p0 $0x100000, s1;
	[bflag:$0x2] =	sbarrier.arrive $0xFFFF  }
0x42: {  	[sflag:s0] =	ssyncadd.tile.s32 @!p0 $0x1;
	_ =	shalt  }
.Lfunc_end1:
_tile_overlayer_lowered:
.L_overlay_start_2:
0x43: {  	(tag) =	ssettag $0x2  }
0x44: {  	s0 =	rddreg [dreg:$0x0];
	s2 =	stileid.u32  }
0x45: {  	s1 =	rddreg [dreg:$0x1];
	p0 =	sne.s32 s2, $0x0  }
0x46: {  	s3 =	rddreg [dreg:$0x2];
	[bflag:$0x3] =	sbarrier.arrive $0xFFFF;
	s2 =	simm.s32 @!p0 $0x1C01  }
0x47: {  	[timem:s3], [sflag:s2] =	dma.local @!p0 [hbm:s0], s1  }
0x48: {  	s0 =	simm.s32 @!p0 $0x1  }
0x49: {  	_ =	swait.ge @!p0 [sflag:s0], s1  }
0x4a: {  	s1 =	ssub.s32 @!p0 $0x0, s1;
	[sflag:s0] =	ssyncset.done @!p0 $0x0  }
0x4b: {  	[sflag:s0] =	ssyncadd.s32 @!p0 s1  }
0x4c: {  	[bflag:$0x3] =	sbarrier.arrive $0xFFFF  }
0x4d: {  	_ =	shalt  }

</sc_bundles>
